<compile_context>
chip_gen: v7x
topology: tpu7x:2x2x1
jax: 0.10.2.dev20260603
libtpu: 0.0.44.dev20260713+nightly
codegen_flags: <defaults>
</compile_context>

<pallas_src>
import functools
import jax
import jax.numpy as jnp
from jax import lax
from jax.experimental import pallas as pl
from jax.experimental.pallas import tpu as pltpu
from jax.experimental.pallas import tpu_sc as plsc

_N = 100000
_NSEG = 256
_NW = 16
_CH = 128
_CPW = 56
_SLAB = _CH * _CPW
_NPAD = _NW * _SLAB
_NEG = -1e30

_TILE = 10000
_W = 64


def _sc_body(s_hbm, i_hbm, alpha_hbm, m_hbm, d_hbm,
             s2, i2, e2, g2, m_v, t_v, parts, d_sh, sem):
    wid = lax.axis_index("s")
    row0 = wid * _CPW
    pltpu.sync_copy(s_hbm.at[pl.ds(row0, _CPW)], s2)
    pltpu.sync_copy(i_hbm.at[pl.ds(row0, _CPW)], i2)

    def mx(k, acc):
        j = k // 8
        c = k - j * 8
        return jnp.maximum(acc, s2[j, pl.ds(c * 16, 16)])
    mvec = lax.fori_loop(0, _CPW * 8, mx, jnp.full((16,), _NEG, jnp.float32))
    m_w = mvec[0]
    for _j in range(1, 16):
        m_w = jnp.maximum(m_w, mvec[_j])
    f_w = i2[0, pl.ds(0, 16)][0]
    l_w = i2[_CPW - 1, pl.ds(_CH - 16, 16)][15]

    iota = lax.iota(jnp.int32, 16)

    def bld(k, _):
        segv = k * 16 + iota
        ok = (segv >= f_w) & (segv <= l_w)
        m_v[pl.ds(k * 16, 16)] = jnp.where(ok, m_w, _NEG)
        return 0
    lax.fori_loop(0, _NSEG // 16, bld, 0)

    pltpu.sync_copy(m_v, parts.at[wid])
    plsc.subcore_barrier()

    @pl.when(wid == 0)
    def _merge_max():
        def outer(j, _):
            pltpu.sync_copy(parts.at[j], t_v)

            def inner(k, _):
                sl = pl.ds(k * 16, 16)
                m_v[sl] = jnp.maximum(m_v[sl], t_v[sl])
                return 0
            lax.fori_loop(0, _NSEG // 16, inner, 0)
            return 0
        lax.fori_loop(1, _NW, outer, 0)
        pltpu.sync_copy(m_v, m_hbm)

        def zr(k, _):
            t_v[pl.ds(k * 16, 16)] = jnp.zeros((16,), jnp.float32)
            return 0
        lax.fori_loop(0, _NSEG // 16, zr, 0)
        pltpu.sync_copy(t_v, d_sh)
    plsc.subcore_barrier()

    def ph2(j, _):
        pltpu.async_copy(m_hbm.at[i2.at[j]], g2.at[j], sem).wait()

        def inner(c, _):
            sl = pl.ds(c * 16, 16)
            e2[j, sl] = jnp.exp(s2[j, sl] - g2[j, sl])
            return 0
        lax.fori_loop(0, _CH // 16, inner, 0)
        pltpu.sync_copy(e2.at[j], d_sh.at[i2.at[j]], add=True)
        return 0
    lax.fori_loop(0, _CPW, ph2, 0)
    plsc.subcore_barrier()

    @pl.when(wid == 0)
    def _pub_d():
        pltpu.sync_copy(d_sh, t_v)
        pltpu.sync_copy(t_v, d_hbm)
    plsc.subcore_barrier()

    def ph3(j, _):
        pltpu.async_copy(d_hbm.at[i2.at[j]], g2.at[j], sem).wait()

        def inner(c, _):
            sl = pl.ds(c * 16, 16)
            e2[j, sl] = e2[j, sl] / (g2[j, sl] + 1e-16)
            return 0
        lax.fori_loop(0, _CH // 16, inner, 0)
        return 0
    lax.fori_loop(0, _CPW, ph3, 0)
    pltpu.sync_copy(e2, alpha_hbm.at[pl.ds(row0, _CPW)])


def _sc_scatter_softmax(s_pad2, i_pad2):
    mesh = plsc.VectorSubcoreMesh(core_axis_name="c", subcore_axis_name="s",
                                  num_cores=1)
    fn = functools.partial(
        pl.kernel,
        mesh=mesh,
        out_type=[
            jax.ShapeDtypeStruct((_NW * _CPW, _CH), jnp.float32),
            jax.ShapeDtypeStruct((_NSEG,), jnp.float32),
            jax.ShapeDtypeStruct((_NSEG,), jnp.float32),
        ],
        scratch_types=[
            pltpu.VMEM((_CPW, _CH), jnp.float32),
            pltpu.VMEM((_CPW, _CH), jnp.int32),
            pltpu.VMEM((_CPW, _CH), jnp.float32),
            pltpu.VMEM((_CPW, _CH), jnp.float32),
            pltpu.VMEM((_NSEG,), jnp.float32),
            pltpu.VMEM((_NSEG,), jnp.float32),
            pltpu.VMEM_SHARED((_NW, _NSEG), jnp.float32),
            pltpu.VMEM_SHARED((_NSEG,), jnp.float32),
            pltpu.SemaphoreType.DMA,
        ],
    )(_sc_body)
    alpha, _m, _d = fn(s_pad2, i_pad2)
    return alpha



def _s_body(v_ref, w_ref, out_ref):
    vb = v_ref[...].astype(jnp.bfloat16)
    wt = w_ref[...].astype(jnp.bfloat16)
    out_ref[0] = jax.lax.dot_general(
        wt, vb, (((1,), (1,)), ((), ())), preferred_element_type=jnp.float32)


def _h_body(idx_ref, a_ref, v_ref, out_ref, h_ref):
    t = pl.program_id(0)
    nt = pl.num_programs(0)

    @pl.when(t == 0)
    def _init():
        h_ref[...] = jnp.zeros(h_ref.shape, jnp.float32)

    v = v_ref[...]
    idx = idx_ref[0]
    a = a_ref[0].astype(jnp.bfloat16)
    vb = v.astype(jnp.bfloat16)

    first = idx_ref[0, 0, 0]
    last = idx_ref[0, 0, _TILE - 1]
    span_ok = (last - first) <= (_W - 8)
    base = jnp.minimum(first - jnp.remainder(first, 8), _NSEG - _W)

    @pl.when(span_ok)
    def _fast():
        lidx = (idx - base).astype(jnp.int16)
        liota = jax.lax.broadcasted_iota(jnp.int16, (_W, 1), 0)
        G = jnp.where(liota == lidx, a, jnp.bfloat16(0.0))
        hdot = jax.lax.dot_general(G, vb, (((1,), (0,)), ((), ())),
                                   preferred_element_type=jnp.float32)
        h_ref[pl.ds(base, _W), :] = h_ref[pl.ds(base, _W), :] + hdot

    @pl.when(jnp.logical_not(span_ok))
    def _slow():
        seg16 = jax.lax.broadcasted_iota(jnp.int16, (_NSEG, 1), 0)
        idx16 = idx.astype(jnp.int16)
        G = jnp.where(seg16 == idx16, a, jnp.bfloat16(0.0))
        hdot = jax.lax.dot_general(G, vb, (((1,), (0,)), ((), ())),
                                   preferred_element_type=jnp.float32)
        h_ref[...] = h_ref[...] + hdot

    @pl.when(t == nt - 1)
    def _fin():
        out_ref[...] = h_ref[...]


def kernel(V, batch_node_index, num_graphs, W_a, b_a):
    n, d = V.shape
    wt = W_a.reshape(1, d)

    s = pl.pallas_call(
        _s_body,
        grid=(n // _TILE,),
        in_specs=[
            pl.BlockSpec((_TILE, d), lambda i: (i, 0)),
            pl.BlockSpec((1, d), lambda i: (0, 0)),
        ],
        out_specs=pl.BlockSpec((1, 1, _TILE), lambda i: (i, 0, 0)),
        out_shape=jax.ShapeDtypeStruct((n // _TILE, 1, _TILE), jnp.float32),
    )(V, wt).reshape(n)

    s_pad = jnp.full((_NPAD,), _NEG, jnp.float32).at[:_N].set(s)
    i_pad = jnp.full((_NPAD,), _NSEG - 1, jnp.int32).at[:_N].set(
        batch_node_index)
    alpha = _sc_scatter_softmax(
        s_pad.reshape(_NW * _CPW, _CH),
        i_pad.reshape(_NW * _CPW, _CH)).reshape(_NPAD)[:_N]

    grid = n // _TILE
    idx3 = batch_node_index.reshape(grid, 1, _TILE)
    a3 = alpha.reshape(grid, 1, _TILE)
    return pl.pallas_call(
        _h_body,
        grid=(grid,),
        in_specs=[
            pl.BlockSpec((1, 1, _TILE), lambda i: (i, 0, 0)),
            pl.BlockSpec((1, 1, _TILE), lambda i: (i, 0, 0)),
            pl.BlockSpec((_TILE, d), lambda i: (i, 0)),
        ],
        out_specs=pl.BlockSpec((_NSEG, d), lambda i: (0, 0)),
        out_shape=jax.ShapeDtypeStruct((_NSEG, d), jnp.float32),
        scratch_shapes=[pltpu.VMEM((_NSEG, d), jnp.float32)],
    )(idx3, a3, V)

# --- scband reference (transcript-rebuilt; emitter-appended) ---
"""Pipeline reference for scband-gated-49941879717984 (READ-ONLY COPY).

The authoritative reference and input builder live on the scoring server;
editing this copy changes nothing except your own understanding.
"""

import jax, jax.numpy as jnp
import numpy as np

N = 100000
D = 128
B = 256


def setup_inputs(seed: int = 0) -> dict:
    key = jax.random.key(seed)
    k1, k2, k3, k4 = jax.random.split(key, 4)
    V = jax.random.normal(k1, (N, D), dtype=jnp.float32)
    batch_node_index = jnp.sort(jax.random.randint(k2, (N,), 0, B, dtype=jnp.int64).astype(jnp.int32)).astype(jnp.int32)
    # nn.Linear(input_dim, 1): weight [1, D], bias [1]. Store weight transposed [D, 1].
    bound = 1.0 / np.sqrt(D)
    W_a = jax.random.uniform(k3, (D, 1), dtype=jnp.float32, minval=-bound, maxval=bound)
    b_a = jax.random.uniform(k4, (1,), dtype=jnp.float32, minval=-bound, maxval=bound)
    return {"V": V, "batch_node_index": batch_node_index, "num_graphs": B, "W_a": W_a, "b_a": b_a}


def reference(V, batch_node_index, num_graphs, W_a, b_a):
    num_segments = B
    zero = (jnp.asarray(num_graphs) - jnp.asarray(num_graphs)).astype(V.dtype)
    # scores = self.a(G.V) -> [N, 1]
    scores = V @ W_a + b_a + zero
    s = scores[:, 0]
    # scatter_softmax(scores, batch_node_index, dim=0, dim_size=num_graphs)
    seg_max = jax.ops.segment_max(s, batch_node_index, num_segments=num_segments)
    seg_max = jnp.where(jnp.isfinite(seg_max), seg_max, jnp.zeros_like(seg_max))
    e = jnp.exp(s - seg_max[batch_node_index])
    denom = jax.ops.segment_sum(e, batch_node_index, num_segments=num_segments)
    alpha = e / (denom[batch_node_index] + 1e-16)
    # H = scatter_sum(alpha * V, batch_node_index, dim=0, dim_size=num_graphs) -> [b, d_v]
    H = jax.ops.segment_sum(alpha[:, None] * V, batch_node_index, num_segments=num_segments)
    return H

if __name__ == "__main__":
    import jax
    _d = setup_inputs()
    print(jax.jit(kernel)(*tuple(_d.values())))

</pallas_src>

<mosaic_0001>
#map = affine_map<(d0, d1) -> (0, 0)>
#map1 = affine_map<(d0, d1) -> (0)>
module attributes {stable_mosaic.version = 14 : i64} {
  func.func @_sc_body(%arg0: i32, %arg1: i32, %arg2: memref<896x128xf32, #tpu.memory_space<hbm>>, %arg3: memref<896x128xi32, #tpu.memory_space<hbm>>, %arg4: memref<896x128xf32, #tpu.memory_space<hbm>>, %arg5: memref<256xf32, #tpu.memory_space<hbm>>, %arg6: memref<256xf32, #tpu.memory_space<hbm>>, %arg7: memref<56x128xf32, #tpu.memory_space<vmem>>, %arg8: memref<56x128xi32, #tpu.memory_space<vmem>>, %arg9: memref<56x128xf32, #tpu.memory_space<vmem>>, %arg10: memref<56x128xf32, #tpu.memory_space<vmem>>, %arg11: memref<256xf32, #tpu.memory_space<vmem>>, %arg12: memref<256xf32, #tpu.memory_space<vmem>>, %arg13: memref<16x256xf32, #tpu.memory_space<vmem_shared>>, %arg14: memref<256xf32, #tpu.memory_space<vmem_shared>>, %arg15: memref<!tpu.dma_semaphore, #tpu.memory_space<semaphore_mem>>) attributes {dimension_semantics = [#tpu.dimension_semantics<core_parallel>, #tpu.dimension_semantics<subcore_parallel>], iteration_bounds = array<i64: 1, 16>, scalar_prefetch = 0 : i64, scratch_operands = 9 : i64, tpu.core_type = #tpu.core_type<sc_vector_subcore>, window_params = [{transform_indices = #map}, {transform_indices = #map}, {transform_indices = #map}, {transform_indices = #map1}, {transform_indices = #map1}]} {
    %mul3A = arith.constant 56 : i32
    %mul3A_0 = arith.muli %arg1, %mul3A : i32
    "tpu.region"() ({
      %run_scoped3A = tpu.sem_alloc : memref<!tpu.dma_semaphore, #tpu.memory_space<semaphore_mem>>
      %dma_start3A = arith.constant 0 : i32
      %dma_start3A_95 = tpu.memref_slice %arg2[%mul3A_0, %dma_start3A] : memref<896x128xf32, #tpu.memory_space<hbm>> -> memref<56x128xf32, #tpu.memory_space<hbm>>
      %dma_start3A_96 = arith.constant 0 : i32
      %dma_start3A_97 = tpu.memref_slice %arg2[%mul3A_0, %dma_start3A_96] : memref<896x128xf32, #tpu.memory_space<hbm>> -> memref<56x128xf32, #tpu.memory_space<hbm>>
      tpu.enqueue_dma source(%dma_start3A_97 : memref<56x128xf32, #tpu.memory_space<hbm>>) target(%arg7 : memref<56x128xf32, #tpu.memory_space<vmem>>) target_semaphore(%run_scoped3A : memref<!tpu.dma_semaphore, #tpu.memory_space<semaphore_mem>>)
      %dma_wait3A = arith.constant 0 : i32
      %dma_wait3A_98 = tpu.memref_slice %arg2[%mul3A_0, %dma_wait3A] : memref<896x128xf32, #tpu.memory_space<hbm>> -> memref<56x128xf32, #tpu.memory_space<hbm>>
      %dma_wait3A_99 = arith.constant 0 : i32
      %dma_wait3A_100 = tpu.memref_slice %arg2[%mul3A_0, %dma_wait3A_99] : memref<896x128xf32, #tpu.memory_space<hbm>> -> memref<56x128xf32, #tpu.memory_space<hbm>>
      tpu.wait_dma2 semaphore(%run_scoped3A : memref<!tpu.dma_semaphore, #tpu.memory_space<semaphore_mem>>) src(%dma_wait3A_100 : memref<56x128xf32, #tpu.memory_space<hbm>>) dst(%arg7 : memref<56x128xf32, #tpu.memory_space<vmem>>)
      tpu.yield
    }) : () -> ()
    "tpu.region"() ({
      %run_scoped3A = tpu.sem_alloc : memref<!tpu.dma_semaphore, #tpu.memory_space<semaphore_mem>>
      %dma_start3A = arith.constant 0 : i32
      %dma_start3A_95 = tpu.memref_slice %arg3[%mul3A_0, %dma_start3A] : memref<896x128xi32, #tpu.memory_space<hbm>> -> memref<56x128xi32, #tpu.memory_space<hbm>>
      %dma_start3A_96 = arith.constant 0 : i32
      %dma_start3A_97 = tpu.memref_slice %arg3[%mul3A_0, %dma_start3A_96] : memref<896x128xi32, #tpu.memory_space<hbm>> -> memref<56x128xi32, #tpu.memory_space<hbm>>
      tpu.enqueue_dma source(%dma_start3A_97 : memref<56x128xi32, #tpu.memory_space<hbm>>) target(%arg8 : memref<56x128xi32, #tpu.memory_space<vmem>>) target_semaphore(%run_scoped3A : memref<!tpu.dma_semaphore, #tpu.memory_space<semaphore_mem>>)
      %dma_wait3A = arith.constant 0 : i32
      %dma_wait3A_98 = tpu.memref_slice %arg3[%mul3A_0, %dma_wait3A] : memref<896x128xi32, #tpu.memory_space<hbm>> -> memref<56x128xi32, #tpu.memory_space<hbm>>
      %dma_wait3A_99 = arith.constant 0 : i32
      %dma_wait3A_100 = tpu.memref_slice %arg3[%mul3A_0, %dma_wait3A_99] : memref<896x128xi32, #tpu.memory_space<hbm>> -> memref<56x128xi32, #tpu.memory_space<hbm>>
      tpu.wait_dma2 semaphore(%run_scoped3A : memref<!tpu.dma_semaphore, #tpu.memory_space<semaphore_mem>>) src(%dma_wait3A_100 : memref<56x128xi32, #tpu.memory_space<hbm>>) dst(%arg8 : memref<56x128xi32, #tpu.memory_space<vmem>>)
      tpu.yield
    }) : () -> ()
    %broadcast_in_dim3A = arith.constant -1.000000e+30 : f32
    %broadcast_in_dim3A_1 = vector.broadcast %broadcast_in_dim3A : f32 to vector<16xf32>
    %scan3A = arith.constant 0 : i32
    %scan3A_2 = arith.constant 448 : i32
    %scan3A_3 = arith.addi %scan3A, %scan3A_2 : i32
    %scan3A_4 = arith.constant 1 : i32
    %scan3A_5 = scf.for %scan3A_95 = %scan3A to %scan3A_3 step %scan3A_4 iter_args(%scan3A_96 = %broadcast_in_dim3A_1) -> (vector<16xf32>)  : i32 {
      %jit3A = arith.constant 8 : i32
      %div3A = arith.divsi %scan3A_95, %jit3A : i32
      %sign3A = arith.constant 0 : i32
      %sign3A_97 = arith.cmpi sgt, %scan3A_95, %sign3A : i32
      %sign3A_98 = arith.extui %sign3A_97 : i1 to i32
      %sign3A_99 = arith.constant 0 : i32
      %sign3A_100 = arith.cmpi slt, %scan3A_95, %sign3A_99 : i32
      %sign3A_101 = arith.extui %sign3A_100 : i1 to i32
      %sign3A_102 = arith.subi %sign3A_98, %sign3A_101 : i32
      %sign3A_103 = arith.constant 0 : i32
      %sign3A_104 = arith.cmpi sgt, %jit3A, %sign3A_103 : i32
      %sign3A_105 = arith.extui %sign3A_104 : i1 to i32
      %sign3A_106 = arith.constant 0 : i32
      %sign3A_107 = arith.cmpi slt, %jit3A, %sign3A_106 : i32
      %sign3A_108 = arith.extui %sign3A_107 : i1 to i32
      %sign3A_109 = arith.subi %sign3A_105, %sign3A_108 : i32
      %ne3A = arith.cmpi ne, %sign3A_102, %sign3A_109 : i32
      %rem3A = arith.remsi %scan3A_95, %jit3A : i32
      %ne3A_110 = arith.constant 0 : i32
      %ne3A_111 = arith.cmpi ne, %rem3A, %ne3A_110 : i32
      %and3A = arith.andi %ne3A, %ne3A_111 : i1
      %sub3A = arith.constant 1 : i32
      %sub3A_112 = arith.subi %div3A, %sub3A : i32
      %select_n3A = arith.select %and3A, %sub3A_112, %div3A : i32
      %mul3A_113 = arith.constant 8 : i32
      %mul3A_114 = arith.muli %select_n3A, %mul3A_113 : i32
      %sub3A_115 = arith.subi %scan3A_95, %mul3A_114 : i32
      %mul3A_116 = arith.constant 16 : i32
      %mul3A_117 = arith.muli %sub3A_115, %mul3A_116 : i32
      %get3A_118 = arith.index_cast %select_n3A : i32 to index
      %get3A_119 = arith.index_cast %mul3A_117 : i32 to index
      %get3A_120 = tpu.vector_load %arg7[%get3A_118, %get3A_119] {strides = array<i32>} : memref<56x128xf32, #tpu.memory_space<vmem>>, vector<1x16xf32>,
      %get3A_121 = vector.shape_cast %get3A_120 : vector<1x16xf32> to vector<16xf32>
      %max3A_122 = arith.maximumf %scan3A_96, %get3A_121 : vector<16xf32>
      scf.yield %max3A_122 : vector<16xf32>
    }
    %scan3A_6 = arith.constant 448 : i32
    %slice3A = vector.extract_strided_slice %scan3A_5 {offsets = [0], sizes = [1], strides = [1]} : vector<16xf32> to vector<1xf32>
    %squeeze3A = vector.extract %slice3A[0] : f32 from vector<1xf32>
    %slice3A_7 = vector.extract_strided_slice %scan3A_5 {offsets = [1], sizes = [1], strides = [1]} : vector<16xf32> to vector<1xf32>
    %squeeze3A_8 = vector.extract %slice3A_7[0] : f32 from vector<1xf32>
    %max3A = arith.maximumf %squeeze3A, %squeeze3A_8 : f32
    %slice3A_9 = vector.extract_strided_slice %scan3A_5 {offsets = [2], sizes = [1], strides = [1]} : vector<16xf32> to vector<1xf32>
    %squeeze3A_10 = vector.extract %slice3A_9[0] : f32 from vector<1xf32>
    %max3A_11 = arith.maximumf %max3A, %squeeze3A_10 : f32
    %slice3A_12 = vector.extract_strided_slice %scan3A_5 {offsets = [3], sizes = [1], strides = [1]} : vector<16xf32> to vector<1xf32>
    %squeeze3A_13 = vector.extract %slice3A_12[0] : f32 from vector<1xf32>
    %max3A_14 = arith.maximumf %max3A_11, %squeeze3A_13 : f32
    %slice3A_15 = vector.extract_strided_slice %scan3A_5 {offsets = [4], sizes = [1], strides = [1]} : vector<16xf32> to vector<1xf32>
    %squeeze3A_16 = vector.extract %slice3A_15[0] : f32 from vector<1xf32>
    %max3A_17 = arith.maximumf %max3A_14, %squeeze3A_16 : f32
    %slice3A_18 = vector.extract_strided_slice %scan3A_5 {offsets = [5], sizes = [1], strides = [1]} : vector<16xf32> to vector<1xf32>
    %squeeze3A_19 = vector.extract %slice3A_18[0] : f32 from vector<1xf32>
    %max3A_20 = arith.maximumf %max3A_17, %squeeze3A_19 : f32
    %slice3A_21 = vector.extract_strided_slice %scan3A_5 {offsets = [6], sizes = [1], strides = [1]} : vector<16xf32> to vector<1xf32>
    %squeeze3A_22 = vector.extract %slice3A_21[0] : f32 from vector<1xf32>
    %max3A_23 = arith.maximumf %max3A_20, %squeeze3A_22 : f32
    %slice3A_24 = vector.extract_strided_slice %scan3A_5 {offsets = [7], sizes = [1], strides = [1]} : vector<16xf32> to vector<1xf32>
    %squeeze3A_25 = vector.extract %slice3A_24[0] : f32 from vector<1xf32>
    %max3A_26 = arith.maximumf %max3A_23, %squeeze3A_25 : f32
    %slice3A_27 = vector.extract_strided_slice %scan3A_5 {offsets = [8], sizes = [1], strides = [1]} : vector<16xf32> to vector<1xf32>
    %squeeze3A_28 = vector.extract %slice3A_27[0] : f32 from vector<1xf32>
    %max3A_29 = arith.maximumf %max3A_26, %squeeze3A_28 : f32
    %slice3A_30 = vector.extract_strided_slice %scan3A_5 {offsets = [9], sizes = [1], strides = [1]} : vector<16xf32> to vector<1xf32>
    %squeeze3A_31 = vector.extract %slice3A_30[0] : f32 from vector<1xf32>
    %max3A_32 = arith.maximumf %max3A_29, %squeeze3A_31 : f32
    %slice3A_33 = vector.extract_strided_slice %scan3A_5 {offsets = [10], sizes = [1], strides = [1]} : vector<16xf32> to vector<1xf32>
    %squeeze3A_34 = vector.extract %slice3A_33[0] : f32 from vector<1xf32>
    %max3A_35 = arith.maximumf %max3A_32, %squeeze3A_34 : f32
    %slice3A_36 = vector.extract_strided_slice %scan3A_5 {offsets = [11], sizes = [1], strides = [1]} : vector<16xf32> to vector<1xf32>
    %squeeze3A_37 = vector.extract %slice3A_36[0] : f32 from vector<1xf32>
    %max3A_38 = arith.maximumf %max3A_35, %squeeze3A_37 : f32
    %slice3A_39 = vector.extract_strided_slice %scan3A_5 {offsets = [12], sizes = [1], strides = [1]} : vector<16xf32> to vector<1xf32>
    %squeeze3A_40 = vector.extract %slice3A_39[0] : f32 from vector<1xf32>
    %max3A_41 = arith.maximumf %max3A_38, %squeeze3A_40 : f32
    %slice3A_42 = vector.extract_strided_slice %scan3A_5 {offsets = [13], sizes = [1], strides = [1]} : vector<16xf32> to vector<1xf32>
    %squeeze3A_43 = vector.extract %slice3A_42[0] : f32 from vector<1xf32>
    %max3A_44 = arith.maximumf %max3A_41, %squeeze3A_43 : f32
    %slice3A_45 = vector.extract_strided_slice %scan3A_5 {offsets = [14], sizes = [1], strides = [1]} : vector<16xf32> to vector<1xf32>
    %squeeze3A_46 = vector.extract %slice3A_45[0] : f32 from vector<1xf32>
    %max3A_47 = arith.maximumf %max3A_44, %squeeze3A_46 : f32
    %slice3A_48 = vector.extract_strided_slice %scan3A_5 {offsets = [15], sizes = [1], strides = [1]} : vector<16xf32> to vector<1xf32>
    %squeeze3A_49 = vector.extract %slice3A_48[0] : f32 from vector<1xf32>
    %max3A_50 = arith.maximumf %max3A_47, %squeeze3A_49 : f32
    %get3A = arith.constant 0 : i32
    %get3A_51 = arith.index_cast %get3A : i32 to index
    %get3A_52 = arith.constant 0 : index
    %get3A_53 = tpu.vector_load %arg8[%get3A_51, %get3A_52] {strides = array<i32>} : memref<56x128xi32, #tpu.memory_space<vmem>>, vector<1x16xi32>,
    %get3A_54 = vector.shape_cast %get3A_53 : vector<1x16xi32> to vector<16xi32>
    %slice3A_55 = vector.extract_strided_slice %get3A_54 {offsets = [0], sizes = [1], strides = [1]} : vector<16xi32> to vector<1xi32>
    %squeeze3A_56 = vector.extract %slice3A_55[0] : i32 from vector<1xi32>
    %get3A_57 = arith.constant 55 : i32
    %get3A_58 = arith.index_cast %get3A_57 : i32 to index
    %get3A_59 = arith.constant 112 : index
    %get3A_60 = tpu.vector_load %arg8[%get3A_58, %get3A_59] {strides = array<i32>} : memref<56x128xi32, #tpu.memory_space<vmem>>, vector<1x16xi32>,
    %get3A_61 = vector.shape_cast %get3A_60 : vector<1x16xi32> to vector<16xi32>
    %slice3A_62 = vector.extract_strided_slice %get3A_61 {offsets = [15], sizes = [1], strides = [1]} : vector<16xi32> to vector<1xi32>
    %squeeze3A_63 = vector.extract %slice3A_62[0] : i32 from vector<1xi32>
    %iota3A = tpu.iota {dimensions = array<i32: 0>} : vector<16xi32>
    %scan3A_64 = arith.constant 0 : i32
    %scan3A_65 = arith.constant 0 : i32
    %scan3A_66 = arith.constant 16 : i32
    %scan3A_67 = arith.addi %scan3A_65, %scan3A_66 : i32
    %scan3A_68 = arith.constant 1 : i32
    %scan3A_69 = scf.for %scan3A_95 = %scan3A_65 to %scan3A_67 step %scan3A_68 iter_args(%scan3A_96 = %scan3A_64) -> (i32)  : i32 {
      %mul3A_97 = arith.constant 16 : i32
      %mul3A_98 = arith.muli %scan3A_95, %mul3A_97 : i32
      %add3A = vector.broadcast %mul3A_98 : i32 to vector<16xi32>
      %add3A_99 = arith.addi %add3A, %iota3A : vector<16xi32>
      %ge3A = vector.broadcast %squeeze3A_56 : i32 to vector<16xi32>
      %ge3A_100 = arith.cmpi sge, %add3A_99, %ge3A : vector<16xi32>
      %le3A = vector.broadcast %squeeze3A_63 : i32 to vector<16xi32>
      %le3A_101 = arith.cmpi sle, %add3A_99, %le3A : vector<16xi32>
      %and3A = arith.andi %ge3A_100, %le3A_101 : vector<16xi1>
      %jit3A = arith.constant -1.000000e+30 : f32
      %broadcast_in_dim3A_102 = vector.broadcast %max3A_50 : f32 to vector<16xf32>
      %broadcast_in_dim3A_103 = vector.broadcast %jit3A : f32 to vector<16xf32>
      %select_n3A = arith.select %and3A, %broadcast_in_dim3A_102, %broadcast_in_dim3A_103 : vector<16xi1>, vector<16xf32>
      %mul3A_104 = arith.constant 16 : i32
      %mul3A_105 = arith.muli %scan3A_95, %mul3A_104 : i32
      %swap3A = arith.index_cast %mul3A_105 : i32 to index
      %swap3A_106 = tpu.vector_load %arg11[%swap3A] {strides = array<i32>} : memref<256xf32, #tpu.memory_space<vmem>>, vector<16xf32>,
      %swap3A_107 = vector.shape_cast %swap3A_106 : vector<16xf32> to vector<16xf32>
      %swap3A_108 = vector.shape_cast %select_n3A : vector<16xf32> to vector<16xf32>
      tpu.vector_store %arg11[%swap3A], %swap3A_108 {strides = array<i32>} : memref<256xf32, #tpu.memory_space<vmem>>, vector<16xf32>,
      %scan3A_109 = arith.constant 0 : i32
      scf.yield %scan3A_109 : i32
    }
    %scan3A_70 = arith.constant 16 : i32
    "tpu.region"() ({
      %run_scoped3A = tpu.sem_alloc : memref<!tpu.dma_semaphore, #tpu.memory_space<semaphore_mem>>
      %dma_start3A = arith.constant 0 : i32
      %dma_start3A_95 = tpu.memref_slice %arg13[%arg1, %dma_start3A] : memref<16x256xf32, #tpu.memory_space<vmem_shared>> -> memref<1x256xf32, #tpu.memory_space<vmem_shared>>
      %dma_start3A_96 = tpu.memref_squeeze %dma_start3A_95 : memref<1x256xf32, #tpu.memory_space<vmem_shared>> -> memref<256xf32, #tpu.memory_space<vmem_shared>>
      %dma_start3A_97 = arith.constant 0 : i32
      %dma_start3A_98 = tpu.memref_slice %arg13[%arg1, %dma_start3A_97] : memref<16x256xf32, #tpu.memory_space<vmem_shared>> -> memref<1x256xf32, #tpu.memory_space<vmem_shared>>
      %dma_start3A_99 = tpu.memref_squeeze %dma_start3A_98 : memref<1x256xf32, #tpu.memory_space<vmem_shared>> -> memref<256xf32, #tpu.memory_space<vmem_shared>>
      tpu.enqueue_dma source(%arg11 : memref<256xf32, #tpu.memory_space<vmem>>) target(%dma_start3A_99 : memref<256xf32, #tpu.memory_space<vmem_shared>>) target_semaphore(%run_scoped3A : memref<!tpu.dma_semaphore, #tpu.memory_space<semaphore_mem>>)
      %dma_wait3A = arith.constant 0 : i32
      %dma_wait3A_100 = tpu.memref_slice %arg13[%arg1, %dma_wait3A] : memref<16x256xf32, #tpu.memory_space<vmem_shared>> -> memref<1x256xf32, #tpu.memory_space<vmem_shared>>
      %dma_wait3A_101 = tpu.memref_squeeze %dma_wait3A_100 : memref<1x256xf32, #tpu.memory_space<vmem_shared>> -> memref<256xf32, #tpu.memory_space<vmem_shared>>
      %dma_wait3A_102 = arith.constant 0 : i32
      %dma_wait3A_103 = tpu.memref_slice %arg13[%arg1, %dma_wait3A_102] : memref<16x256xf32, #tpu.memory_space<vmem_shared>> -> memref<1x256xf32, #tpu.memory_space<vmem_shared>>
      %dma_wait3A_104 = tpu.memref_squeeze %dma_wait3A_103 : memref<1x256xf32, #tpu.memory_space<vmem_shared>> -> memref<256xf32, #tpu.memory_space<vmem_shared>>
      tpu.wait_dma2 semaphore(%run_scoped3A : memref<!tpu.dma_semaphore, #tpu.memory_space<semaphore_mem>>) src(%arg11 : memref<256xf32, #tpu.memory_space<vmem>>) dst(%dma_wait3A_104 : memref<256xf32, #tpu.memory_space<vmem_shared>>)
      tpu.yield
    }) : () -> ()
    %barrier3A = arith.constant 0 : index
    tpu.barrier barrier_id(%barrier3A)
    %eq3A = arith.constant 0 : i32
    %eq3A_71 = arith.cmpi eq, %arg1, %eq3A : i32
    %convert_element_type3A = arith.extui %eq3A_71 : i1 to i32
    %cond3A = arith.constant 0 : i32
    %cond3A_72 = arith.cmpi ne, %convert_element_type3A, %cond3A : i32
    scf.if %cond3A_72 {
      %scan3A_95 = arith.constant 0 : i32
      %scan3A_96 = arith.constant 1 : i32
      %scan3A_97 = arith.constant 15 : i32
      %scan3A_98 = arith.addi %scan3A_96, %scan3A_97 : i32
      %scan3A_99 = arith.constant 1 : i32
      %scan3A_100 = scf.for %scan3A_109 = %scan3A_96 to %scan3A_98 step %scan3A_99 iter_args(%scan3A_110 = %scan3A_95) -> (i32)  : i32 {
        "tpu.region"() ({
          %run_scoped3A = tpu.sem_alloc : memref<!tpu.dma_semaphore, #tpu.memory_space<semaphore_mem>>
          %dma_start3A = arith.constant 0 : i32
          %dma_start3A_119 = tpu.memref_slice %arg13[%scan3A_109, %dma_start3A] : memref<16x256xf32, #tpu.memory_space<vmem_shared>> -> memref<1x256xf32, #tpu.memory_space<vmem_shared>>
          %dma_start3A_120 = tpu.memref_squeeze %dma_start3A_119 : memref<1x256xf32, #tpu.memory_space<vmem_shared>> -> memref<256xf32, #tpu.memory_space<vmem_shared>>
          %dma_start3A_121 = arith.constant 0 : i32
          %dma_start3A_122 = tpu.memref_slice %arg13[%scan3A_109, %dma_start3A_121] : memref<16x256xf32, #tpu.memory_space<vmem_shared>> -> memref<1x256xf32, #tpu.memory_space<vmem_shared>>
          %dma_start3A_123 = tpu.memref_squeeze %dma_start3A_122 : memref<1x256xf32, #tpu.memory_space<vmem_shared>> -> memref<256xf32, #tpu.memory_space<vmem_shared>>
          tpu.enqueue_dma source(%dma_start3A_123 : memref<256xf32, #tpu.memory_space<vmem_shared>>) target(%arg12 : memref<256xf32, #tpu.memory_space<vmem>>) target_semaphore(%run_scoped3A : memref<!tpu.dma_semaphore, #tpu.memory_space<semaphore_mem>>)
          %dma_wait3A = arith.constant 0 : i32
          %dma_wait3A_124 = tpu.memref_slice %arg13[%scan3A_109, %dma_wait3A] : memref<16x256xf32, #tpu.memory_space<vmem_shared>> -> memref<1x256xf32, #tpu.memory_space<vmem_shared>>
          %dma_wait3A_125 = tpu.memref_squeeze %dma_wait3A_124 : memref<1x256xf32, #tpu.memory_space<vmem_shared>> -> memref<256xf32, #tpu.memory_space<vmem_shared>>
          %dma_wait3A_126 = arith.constant 0 : i32
          %dma_wait3A_127 = tpu.memref_slice %arg13[%scan3A_109, %dma_wait3A_126] : memref<16x256xf32, #tpu.memory_space<vmem_shared>> -> memref<1x256xf32, #tpu.memory_space<vmem_shared>>
          %dma_wait3A_128 = tpu.memref_squeeze %dma_wait3A_127 : memref<1x256xf32, #tpu.memory_space<vmem_shared>> -> memref<256xf32, #tpu.memory_space<vmem_shared>>
          tpu.wait_dma2 semaphore(%run_scoped3A : memref<!tpu.dma_semaphore, #tpu.memory_space<semaphore_mem>>) src(%dma_wait3A_128 : memref<256xf32, #tpu.memory_space<vmem_shared>>) dst(%arg12 : memref<256xf32, #tpu.memory_space<vmem>>)
          tpu.yield
        }) : () -> ()
        %scan3A_111 = arith.constant 0 : i32
        %scan3A_112 = arith.constant 0 : i32
        %scan3A_113 = arith.constant 16 : i32
        %scan3A_114 = arith.addi %scan3A_112, %scan3A_113 : i32
        %scan3A_115 = arith.constant 1 : i32
        %scan3A_116 = scf.for %scan3A_119 = %scan3A_112 to %scan3A_114 step %scan3A_115 iter_args(%scan3A_120 = %scan3A_111) -> (i32)  : i32 {
          %mul3A_121 = arith.constant 16 : i32
          %mul3A_122 = arith.muli %scan3A_119, %mul3A_121 : i32
          %get3A_123 = arith.index_cast %mul3A_122 : i32 to index
          %get3A_124 = tpu.vector_load %arg11[%get3A_123] {strides = array<i32>} : memref<256xf32, #tpu.memory_space<vmem>>, vector<16xf32>,
          %get3A_125 = vector.shape_cast %get3A_124 : vector<16xf32> to vector<16xf32>
          %get3A_126 = arith.index_cast %mul3A_122 : i32 to index
          %get3A_127 = tpu.vector_load %arg12[%get3A_126] {strides = array<i32>} : memref<256xf32, #tpu.memory_space<vmem>>, vector<16xf32>,
          %get3A_128 = vector.shape_cast %get3A_127 : vector<16xf32> to vector<16xf32>
          %max3A_129 = arith.maximumf %get3A_125, %get3A_128 : vector<16xf32>
          %swap3A = arith.index_cast %mul3A_122 : i32 to index
          %swap3A_130 = tpu.vector_load %arg11[%swap3A] {strides = array<i32>} : memref<256xf32, #tpu.memory_space<vmem>>, vector<16xf32>,
          %swap3A_131 = vector.shape_cast %swap3A_130 : vector<16xf32> to vector<16xf32>
          %swap3A_132 = vector.shape_cast %max3A_129 : vector<16xf32> to vector<16xf32>
          tpu.vector_store %arg11[%swap3A], %swap3A_132 {strides = array<i32>} : memref<256xf32, #tpu.memory_space<vmem>>, vector<16xf32>,
          %scan3A_133 = arith.constant 0 : i32
          scf.yield %scan3A_133 : i32
        }
        %scan3A_117 = arith.constant 16 : i32
        %scan3A_118 = arith.constant 0 : i32
        scf.yield %scan3A_118 : i32
      }
      %scan3A_101 = arith.constant 15 : i32
      "tpu.region"() ({
        %run_scoped3A = tpu.sem_alloc : memref<!tpu.dma_semaphore, #tpu.memory_space<semaphore_mem>>
        tpu.enqueue_dma source(%arg11 : memref<256xf32, #tpu.memory_space<vmem>>) target(%arg5 : memref<256xf32, #tpu.memory_space<hbm>>) target_semaphore(%run_scoped3A : memref<!tpu.dma_semaphore, #tpu.memory_space<semaphore_mem>>)
        tpu.wait_dma2 semaphore(%run_scoped3A : memref<!tpu.dma_semaphore, #tpu.memory_space<semaphore_mem>>) src(%arg11 : memref<256xf32, #tpu.memory_space<vmem>>) dst(%arg5 : memref<256xf32, #tpu.memory_space<hbm>>)
        tpu.yield
      }) : () -> ()
      %scan3A_102 = arith.constant 0 : i32
      %scan3A_103 = arith.constant 0 : i32
      %scan3A_104 = arith.constant 16 : i32
      %scan3A_105 = arith.addi %scan3A_103, %scan3A_104 : i32
      %scan3A_106 = arith.constant 1 : i32
      %scan3A_107 = scf.for %scan3A_109 = %scan3A_103 to %scan3A_105 step %scan3A_106 iter_args(%scan3A_110 = %scan3A_102) -> (i32)  : i32 {
        %broadcast_in_dim3A_111 = arith.constant 0.000000e+00 : f32
        %broadcast_in_dim3A_112 = vector.broadcast %broadcast_in_dim3A_111 : f32 to vector<16xf32>
        %mul3A_113 = arith.constant 16 : i32
        %mul3A_114 = arith.muli %scan3A_109, %mul3A_113 : i32
        %swap3A = arith.index_cast %mul3A_114 : i32 to index
        %swap3A_115 = tpu.vector_load %arg12[%swap3A] {strides = array<i32>} : memref<256xf32, #tpu.memory_space<vmem>>, vector<16xf32>,
        %swap3A_116 = vector.shape_cast %swap3A_115 : vector<16xf32> to vector<16xf32>
        %swap3A_117 = vector.shape_cast %broadcast_in_dim3A_112 : vector<16xf32> to vector<16xf32>
        tpu.vector_store %arg12[%swap3A], %swap3A_117 {strides = array<i32>} : memref<256xf32, #tpu.memory_space<vmem>>, vector<16xf32>,
        %scan3A_118 = arith.constant 0 : i32
        scf.yield %scan3A_118 : i32
      }
      %scan3A_108 = arith.constant 16 : i32
      "tpu.region"() ({
        %run_scoped3A = tpu.sem_alloc : memref<!tpu.dma_semaphore, #tpu.memory_space<semaphore_mem>>
        tpu.enqueue_dma source(%arg12 : memref<256xf32, #tpu.memory_space<vmem>>) target(%arg14 : memref<256xf32, #tpu.memory_space<vmem_shared>>) target_semaphore(%run_scoped3A : memref<!tpu.dma_semaphore, #tpu.memory_space<semaphore_mem>>)
        tpu.wait_dma2 semaphore(%run_scoped3A : memref<!tpu.dma_semaphore, #tpu.memory_space<semaphore_mem>>) src(%arg12 : memref<256xf32, #tpu.memory_space<vmem>>) dst(%arg14 : memref<256xf32, #tpu.memory_space<vmem_shared>>)
        tpu.yield
      }) : () -> ()
    } else {
    }
    %barrier3A_73 = arith.constant 0 : index
    tpu.barrier barrier_id(%barrier3A_73)
    %scan3A_74 = arith.constant 0 : i32
    %scan3A_75 = arith.constant 0 : i32
    %scan3A_76 = arith.constant 56 : i32
    %scan3A_77 = arith.addi %scan3A_75, %scan3A_76 : i32
    %scan3A_78 = arith.constant 1 : i32
    %scan3A_79 = scf.for %scan3A_95 = %scan3A_75 to %scan3A_77 step %scan3A_78 iter_args(%scan3A_96 = %scan3A_74) -> (i32)  : i32 {
      %dma_start3A = arith.constant 0 : i32
      %dma_start3A_97 = tpu.memref_slice %arg10[%scan3A_95, %dma_start3A] : memref<56x128xf32, #tpu.memory_space<vmem>> -> memref<1x128xf32, #tpu.memory_space<vmem>>
      %dma_start3A_98 = tpu.memref_squeeze %dma_start3A_97 : memref<1x128xf32, #tpu.memory_space<vmem>> -> memref<128xf32, #tpu.memory_space<vmem>>
      %dma_start3A_99 = arith.constant 0 : i32
      %dma_start3A_100 = tpu.memref_slice %arg8[%scan3A_95, %dma_start3A_99] : memref<56x128xi32, #tpu.memory_space<vmem>> -> memref<1x128xi32, #tpu.memory_space<vmem>>
      %dma_start3A_101 = tpu.memref_squeeze %dma_start3A_100 : memref<1x128xi32, #tpu.memory_space<vmem>> -> memref<128xi32, #tpu.memory_space<vmem>>
      %dma_start3A_102 = arith.constant 0 : i32
      %dma_start3A_103 = tpu.memref_slice %arg5[%dma_start3A_102] : memref<256xf32, #tpu.memory_space<hbm>> -> memref<256xf32, #tpu.memory_space<hbm>>
      tpu.enqueue_indirect_dma source(%dma_start3A_103 : memref<256xf32, #tpu.memory_space<hbm>>) target(%dma_start3A_98 : memref<128xf32, #tpu.memory_space<vmem>>) offsets(%dma_start3A_101 : memref<128xi32, #tpu.memory_space<vmem>>) semaphore(%arg15 : memref<!tpu.dma_semaphore, #tpu.memory_space<semaphore_mem>>)
      %dma_wait3A = arith.constant 0 : i32
      %dma_wait3A_104 = tpu.memref_slice %arg10[%scan3A_95, %dma_wait3A] : memref<56x128xf32, #tpu.memory_space<vmem>> -> memref<1x128xf32, #tpu.memory_space<vmem>>
      %dma_wait3A_105 = tpu.memref_squeeze %dma_wait3A_104 : memref<1x128xf32, #tpu.memory_space<vmem>> -> memref<128xf32, #tpu.memory_space<vmem>>
      %dma_wait3A_106 = arith.constant 0 : i32
      %dma_wait3A_107 = tpu.memref_slice %arg8[%scan3A_95, %dma_wait3A_106] : memref<56x128xi32, #tpu.memory_space<vmem>> -> memref<1x128xi32, #tpu.memory_space<vmem>>
      %dma_wait3A_108 = tpu.memref_squeeze %dma_wait3A_107 : memref<1x128xi32, #tpu.memory_space<vmem>> -> memref<128xi32, #tpu.memory_space<vmem>>
      %dma_wait3A_109 = arith.constant 0 : i32
      %dma_wait3A_110 = tpu.memref_slice %arg5[%dma_wait3A_109] : memref<256xf32, #tpu.memory_space<hbm>> -> memref<256xf32, #tpu.memory_space<hbm>>
      tpu.wait_indirect_dma semaphore(%arg15 : memref<!tpu.dma_semaphore, #tpu.memory_space<semaphore_mem>>) src(%dma_wait3A_110 : memref<256xf32, #tpu.memory_space<hbm>>) dst(%dma_wait3A_105 : memref<128xf32, #tpu.memory_space<vmem>>)
      %scan3A_111 = arith.constant 0 : i32
      %scan3A_112 = arith.constant 0 : i32
      %scan3A_113 = arith.constant 8 : i32
      %scan3A_114 = arith.addi %scan3A_112, %scan3A_113 : i32
      %scan3A_115 = arith.constant 1 : i32
      %scan3A_116 = scf.for %scan3A_119 = %scan3A_112 to %scan3A_114 step %scan3A_115 iter_args(%scan3A_120 = %scan3A_111) -> (i32)  : i32 {
        %mul3A_121 = arith.constant 16 : i32
        %mul3A_122 = arith.muli %scan3A_119, %mul3A_121 : i32
        %get3A_123 = arith.index_cast %scan3A_95 : i32 to index
        %get3A_124 = arith.index_cast %mul3A_122 : i32 to index
        %get3A_125 = tpu.vector_load %arg7[%get3A_123, %get3A_124] {strides = array<i32>} : memref<56x128xf32, #tpu.memory_space<vmem>>, vector<1x16xf32>,
        %get3A_126 = vector.shape_cast %get3A_125 : vector<1x16xf32> to vector<16xf32>
        %get3A_127 = arith.index_cast %scan3A_95 : i32 to index
        %get3A_128 = arith.index_cast %mul3A_122 : i32 to index
        %get3A_129 = tpu.vector_load %arg10[%get3A_127, %get3A_128] {strides = array<i32>} : memref<56x128xf32, #tpu.memory_space<vmem>>, vector<1x16xf32>,
        %get3A_130 = vector.shape_cast %get3A_129 : vector<1x16xf32> to vector<16xf32>
        %sub3A = arith.subf %get3A_126, %get3A_130 : vector<16xf32>
        %exp3A = math.exp %sub3A : vector<16xf32>
        %swap3A = arith.index_cast %scan3A_95 : i32 to index
        %swap3A_131 = arith.index_cast %mul3A_122 : i32 to index
        %swap3A_132 = tpu.vector_load %arg9[%swap3A, %swap3A_131] {strides = array<i32>} : memref<56x128xf32, #tpu.memory_space<vmem>>, vector<1x16xf32>,
        %swap3A_133 = vector.shape_cast %swap3A_132 : vector<1x16xf32> to vector<16xf32>
        %swap3A_134 = vector.shape_cast %exp3A : vector<16xf32> to vector<1x16xf32>
        tpu.vector_store %arg9[%swap3A, %swap3A_131], %swap3A_134 {strides = array<i32>} : memref<56x128xf32, #tpu.memory_space<vmem>>, vector<1x16xf32>,
        %scan3A_135 = arith.constant 0 : i32
        scf.yield %scan3A_135 : i32
      }
      %scan3A_117 = arith.constant 8 : i32
      "tpu.region"() ({
        %run_scoped3A = tpu.sem_alloc : memref<!tpu.dma_semaphore, #tpu.memory_space<semaphore_mem>>
        %dma_start3A_119 = arith.constant 0 : i32
        %dma_start3A_120 = tpu.memref_slice %arg9[%scan3A_95, %dma_start3A_119] : memref<56x128xf32, #tpu.memory_space<vmem>> -> memref<1x128xf32, #tpu.memory_space<vmem>>
        %dma_start3A_121 = tpu.memref_squeeze %dma_start3A_120 : memref<1x128xf32, #tpu.memory_space<vmem>> -> memref<128xf32, #tpu.memory_space<vmem>>
        %dma_start3A_122 = arith.constant 0 : i32
        %dma_start3A_123 = tpu.memref_slice %arg8[%scan3A_95, %dma_start3A_122] : memref<56x128xi32, #tpu.memory_space<vmem>> -> memref<1x128xi32, #tpu.memory_space<vmem>>
        %dma_start3A_124 = tpu.memref_squeeze %dma_start3A_123 : memref<1x128xi32, #tpu.memory_space<vmem>> -> memref<128xi32, #tpu.memory_space<vmem>>
        %dma_start3A_125 = arith.constant 0 : i32
        %dma_start3A_126 = tpu.memref_slice %arg14[%dma_start3A_125] : memref<256xf32, #tpu.memory_space<vmem_shared>> -> memref<256xf32, #tpu.memory_space<vmem_shared>>
        tpu.enqueue_indirect_dma source(%dma_start3A_121 : memref<128xf32, #tpu.memory_space<vmem>>) target(%dma_start3A_126 : memref<256xf32, #tpu.memory_space<vmem_shared>>) offsets(%dma_start3A_124 : memref<128xi32, #tpu.memory_space<vmem>>) semaphore(%run_scoped3A : memref<!tpu.dma_semaphore, #tpu.memory_space<semaphore_mem>>) {add = true}
        %dma_wait3A_127 = arith.constant 0 : i32
        %dma_wait3A_128 = tpu.memref_slice %arg9[%scan3A_95, %dma_wait3A_127] : memref<56x128xf32, #tpu.memory_space<vmem>> -> memref<1x128xf32, #tpu.memory_space<vmem>>
        %dma_wait3A_129 = tpu.memref_squeeze %dma_wait3A_128 : memref<1x128xf32, #tpu.memory_space<vmem>> -> memref<128xf32, #tpu.memory_space<vmem>>
        %dma_wait3A_130 = arith.constant 0 : i32
        %dma_wait3A_131 = tpu.memref_slice %arg8[%scan3A_95, %dma_wait3A_130] : memref<56x128xi32, #tpu.memory_space<vmem>> -> memref<1x128xi32, #tpu.memory_space<vmem>>
        %dma_wait3A_132 = tpu.memref_squeeze %dma_wait3A_131 : memref<1x128xi32, #tpu.memory_space<vmem>> -> memref<128xi32, #tpu.memory_space<vmem>>
        %dma_wait3A_133 = arith.constant 0 : i32
        %dma_wait3A_134 = tpu.memref_slice %arg14[%dma_wait3A_133] : memref<256xf32, #tpu.memory_space<vmem_shared>> -> memref<256xf32, #tpu.memory_space<vmem_shared>>
        tpu.wait_indirect_dma semaphore(%run_scoped3A : memref<!tpu.dma_semaphore, #tpu.memory_space<semaphore_mem>>) src(%dma_wait3A_129 : memref<128xf32, #tpu.memory_space<vmem>>) dst(%dma_wait3A_134 : memref<256xf32, #tpu.memory_space<vmem_shared>>)
        tpu.yield
      }) : () -> ()
      %scan3A_118 = arith.constant 0 : i32
      scf.yield %scan3A_118 : i32
    }
    %scan3A_80 = arith.constant 56 : i32
    %barrier3A_81 = arith.constant 0 : index
    tpu.barrier barrier_id(%barrier3A_81)
    %eq3A_82 = arith.constant 0 : i32
    %eq3A_83 = arith.cmpi eq, %arg1, %eq3A_82 : i32
    %convert_element_type3A_84 = arith.extui %eq3A_83 : i1 to i32
    %cond3A_85 = arith.constant 0 : i32
    %cond3A_86 = arith.cmpi ne, %convert_element_type3A_84, %cond3A_85 : i32
    scf.if %cond3A_86 {
      "tpu.region"() ({
        %run_scoped3A = tpu.sem_alloc : memref<!tpu.dma_semaphore, #tpu.memory_space<semaphore_mem>>
        tpu.enqueue_dma source(%arg14 : memref<256xf32, #tpu.memory_space<vmem_shared>>) target(%arg12 : memref<256xf32, #tpu.memory_space<vmem>>) target_semaphore(%run_scoped3A : memref<!tpu.dma_semaphore, #tpu.memory_space<semaphore_mem>>)
        tpu.wait_dma2 semaphore(%run_scoped3A : memref<!tpu.dma_semaphore, #tpu.memory_space<semaphore_mem>>) src(%arg14 : memref<256xf32, #tpu.memory_space<vmem_shared>>) dst(%arg12 : memref<256xf32, #tpu.memory_space<vmem>>)
        tpu.yield
      }) : () -> ()
      "tpu.region"() ({
        %run_scoped3A = tpu.sem_alloc : memref<!tpu.dma_semaphore, #tpu.memory_space<semaphore_mem>>
        tpu.enqueue_dma source(%arg12 : memref<256xf32, #tpu.memory_space<vmem>>) target(%arg6 : memref<256xf32, #tpu.memory_space<hbm>>) target_semaphore(%run_scoped3A : memref<!tpu.dma_semaphore, #tpu.memory_space<semaphore_mem>>)
        tpu.wait_dma2 semaphore(%run_scoped3A : memref<!tpu.dma_semaphore, #tpu.memory_space<semaphore_mem>>) src(%arg12 : memref<256xf32, #tpu.memory_space<vmem>>) dst(%arg6 : memref<256xf32, #tpu.memory_space<hbm>>)
        tpu.yield
      }) : () -> ()
    } else {
    }
    %barrier3A_87 = arith.constant 0 : index
    tpu.barrier barrier_id(%barrier3A_87)
    %scan3A_88 = arith.constant 0 : i32
    %scan3A_89 = arith.constant 0 : i32
    %scan3A_90 = arith.constant 56 : i32
    %scan3A_91 = arith.addi %scan3A_89, %scan3A_90 : i32
    %scan3A_92 = arith.constant 1 : i32
    %scan3A_93 = scf.for %scan3A_95 = %scan3A_89 to %scan3A_91 step %scan3A_92 iter_args(%scan3A_96 = %scan3A_88) -> (i32)  : i32 {
      %dma_start3A = arith.constant 0 : i32
      %dma_start3A_97 = tpu.memref_slice %arg10[%scan3A_95, %dma_start3A] : memref<56x128xf32, #tpu.memory_space<vmem>> -> memref<1x128xf32, #tpu.memory_space<vmem>>
      %dma_start3A_98 = tpu.memref_squeeze %dma_start3A_97 : memref<1x128xf32, #tpu.memory_space<vmem>> -> memref<128xf32, #tpu.memory_space<vmem>>
      %dma_start3A_99 = arith.constant 0 : i32
      %dma_start3A_100 = tpu.memref_slice %arg8[%scan3A_95, %dma_start3A_99] : memref<56x128xi32, #tpu.memory_space<vmem>> -> memref<1x128xi32, #tpu.memory_space<vmem>>
      %dma_start3A_101 = tpu.memref_squeeze %dma_start3A_100 : memref<1x128xi32, #tpu.memory_space<vmem>> -> memref<128xi32, #tpu.memory_space<vmem>>
      %dma_start3A_102 = arith.constant 0 : i32
      %dma_start3A_103 = tpu.memref_slice %arg6[%dma_start3A_102] : memref<256xf32, #tpu.memory_space<hbm>> -> memref<256xf32, #tpu.memory_space<hbm>>
      tpu.enqueue_indirect_dma source(%dma_start3A_103 : memref<256xf32, #tpu.memory_space<hbm>>) target(%dma_start3A_98 : memref<128xf32, #tpu.memory_space<vmem>>) offsets(%dma_start3A_101 : memref<128xi32, #tpu.memory_space<vmem>>) semaphore(%arg15 : memref<!tpu.dma_semaphore, #tpu.memory_space<semaphore_mem>>)
      %dma_wait3A = arith.constant 0 : i32
      %dma_wait3A_104 = tpu.memref_slice %arg10[%scan3A_95, %dma_wait3A] : memref<56x128xf32, #tpu.memory_space<vmem>> -> memref<1x128xf32, #tpu.memory_space<vmem>>
      %dma_wait3A_105 = tpu.memref_squeeze %dma_wait3A_104 : memref<1x128xf32, #tpu.memory_space<vmem>> -> memref<128xf32, #tpu.memory_space<vmem>>
      %dma_wait3A_106 = arith.constant 0 : i32
      %dma_wait3A_107 = tpu.memref_slice %arg8[%scan3A_95, %dma_wait3A_106] : memref<56x128xi32, #tpu.memory_space<vmem>> -> memref<1x128xi32, #tpu.memory_space<vmem>>
      %dma_wait3A_108 = tpu.memref_squeeze %dma_wait3A_107 : memref<1x128xi32, #tpu.memory_space<vmem>> -> memref<128xi32, #tpu.memory_space<vmem>>
      %dma_wait3A_109 = arith.constant 0 : i32
      %dma_wait3A_110 = tpu.memref_slice %arg6[%dma_wait3A_109] : memref<256xf32, #tpu.memory_space<hbm>> -> memref<256xf32, #tpu.memory_space<hbm>>
      tpu.wait_indirect_dma semaphore(%arg15 : memref<!tpu.dma_semaphore, #tpu.memory_space<semaphore_mem>>) src(%dma_wait3A_110 : memref<256xf32, #tpu.memory_space<hbm>>) dst(%dma_wait3A_105 : memref<128xf32, #tpu.memory_space<vmem>>)
      %scan3A_111 = arith.constant 0 : i32
      %scan3A_112 = arith.constant 0 : i32
      %scan3A_113 = arith.constant 8 : i32
      %scan3A_114 = arith.addi %scan3A_112, %scan3A_113 : i32
      %scan3A_115 = arith.constant 1 : i32
      %scan3A_116 = scf.for %scan3A_119 = %scan3A_112 to %scan3A_114 step %scan3A_115 iter_args(%scan3A_120 = %scan3A_111) -> (i32)  : i32 {
        %mul3A_121 = arith.constant 16 : i32
        %mul3A_122 = arith.muli %scan3A_119, %mul3A_121 : i32
        %get3A_123 = arith.index_cast %scan3A_95 : i32 to index
        %get3A_124 = arith.index_cast %mul3A_122 : i32 to index
        %get3A_125 = tpu.vector_load %arg9[%get3A_123, %get3A_124] {strides = array<i32>} : memref<56x128xf32, #tpu.memory_space<vmem>>, vector<1x16xf32>,
        %get3A_126 = vector.shape_cast %get3A_125 : vector<1x16xf32> to vector<16xf32>
        %get3A_127 = arith.index_cast %scan3A_95 : i32 to index
        %get3A_128 = arith.index_cast %mul3A_122 : i32 to index
        %get3A_129 = tpu.vector_load %arg10[%get3A_127, %get3A_128] {strides = array<i32>} : memref<56x128xf32, #tpu.memory_space<vmem>>, vector<1x16xf32>,
        %get3A_130 = vector.shape_cast %get3A_129 : vector<1x16xf32> to vector<16xf32>
        %add3A = arith.constant 1.000000e-16 : f32
        %add3A_131 = vector.broadcast %add3A : f32 to vector<16xf32>
        %add3A_132 = arith.addf %get3A_130, %add3A_131 : vector<16xf32>
        %div3A = arith.divf %get3A_126, %add3A_132 : vector<16xf32>
        %swap3A = arith.index_cast %scan3A_95 : i32 to index
        %swap3A_133 = arith.index_cast %mul3A_122 : i32 to index
        %swap3A_134 = tpu.vector_load %arg9[%swap3A, %swap3A_133] {strides = array<i32>} : memref<56x128xf32, #tpu.memory_space<vmem>>, vector<1x16xf32>,
        %swap3A_135 = vector.shape_cast %swap3A_134 : vector<1x16xf32> to vector<16xf32>
        %swap3A_136 = vector.shape_cast %div3A : vector<16xf32> to vector<1x16xf32>
        tpu.vector_store %arg9[%swap3A, %swap3A_133], %swap3A_136 {strides = array<i32>} : memref<56x128xf32, #tpu.memory_space<vmem>>, vector<1x16xf32>,
        %scan3A_137 = arith.constant 0 : i32
        scf.yield %scan3A_137 : i32
      }
      %scan3A_117 = arith.constant 8 : i32
      %scan3A_118 = arith.constant 0 : i32
      scf.yield %scan3A_118 : i32
    }
    %scan3A_94 = arith.constant 56 : i32
    "tpu.region"() ({
      %run_scoped3A = tpu.sem_alloc : memref<!tpu.dma_semaphore, #tpu.memory_space<semaphore_mem>>
      %dma_start3A = arith.constant 0 : i32
      %dma_start3A_95 = tpu.memref_slice %arg4[%mul3A_0, %dma_start3A] : memref<896x128xf32, #tpu.memory_space<hbm>> -> memref<56x128xf32, #tpu.memory_space<hbm>>
      %dma_start3A_96 = arith.constant 0 : i32
      %dma_start3A_97 = tpu.memref_slice %arg4[%mul3A_0, %dma_start3A_96] : memref<896x128xf32, #tpu.memory_space<hbm>> -> memref<56x128xf32, #tpu.memory_space<hbm>>
      tpu.enqueue_dma source(%arg9 : memref<56x128xf32, #tpu.memory_space<vmem>>) target(%dma_start3A_97 : memref<56x128xf32, #tpu.memory_space<hbm>>) target_semaphore(%run_scoped3A : memref<!tpu.dma_semaphore, #tpu.memory_space<semaphore_mem>>)
      %dma_wait3A = arith.constant 0 : i32
      %dma_wait3A_98 = tpu.memref_slice %arg4[%mul3A_0, %dma_wait3A] : memref<896x128xf32, #tpu.memory_space<hbm>> -> memref<56x128xf32, #tpu.memory_space<hbm>>
      %dma_wait3A_99 = arith.constant 0 : i32
      %dma_wait3A_100 = tpu.memref_slice %arg4[%mul3A_0, %dma_wait3A_99] : memref<896x128xf32, #tpu.memory_space<hbm>> -> memref<56x128xf32, #tpu.memory_space<hbm>>
      tpu.wait_dma2 semaphore(%run_scoped3A : memref<!tpu.dma_semaphore, #tpu.memory_space<semaphore_mem>>) src(%arg9 : memref<56x128xf32, #tpu.memory_space<vmem>>) dst(%dma_wait3A_100 : memref<56x128xf32, #tpu.memory_space<hbm>>)
      tpu.yield
    }) : () -> ()
    return
  }
}

module attributes {stable_mosaic.version = 14 : i64} {
  func.func @_s_body(%arg0: i32, %arg1: memref<10000x128xf32, #tpu.memory_space<vmem>>, %arg2: memref<1x128xf32, #tpu.memory_space<vmem>>, %arg3: memref<1x1x10000xf32, #tpu.memory_space<vmem>>) attributes {dimension_semantics = [#tpu.dimension_semantics<arbitrary>], iteration_bounds = array<i64: 10>, scalar_prefetch = 0 : i64, scratch_operands = 0 : i64, tpu.core_type = #tpu.core_type<tc>, window_params = [{transform_indices = @transform_0, window_bounds = array<i64: 10000, 128>}, {pipeline_mode = #tpu.pipeline_mode<synchronous>, transform_indices = @transform_1, window_bounds = array<i64: 1, 128>}, {transform_indices = @transform_2, window_bounds = array<i64: 1, 1, 10000>}]} {
    %get3A = arith.constant 0 : index
    %get3A_0 = arith.constant 0 : index
    %get3A_1 = vector.load %arg1[%get3A, %get3A_0] : memref<10000x128xf32, #tpu.memory_space<vmem>>, vector<10000x128xf32>
    %convert_element_type3A = arith.truncf %get3A_1 : vector<10000x128xf32> to vector<10000x128xbf16>
    %get3A_2 = arith.constant 0 : index
    %get3A_3 = arith.constant 0 : index
    %get3A_4 = vector.load %arg2[%get3A_2, %get3A_3] : memref<1x128xf32, #tpu.memory_space<vmem>>, vector<1x128xf32>
    %convert_element_type3A_5 = arith.truncf %get3A_4 : vector<1x128xf32> to vector<1x128xbf16>
    %dot_general3A = arith.constant dense<0.000000e+00> : vector<1x10000xf32>
    %dot_general3A_6 = tpu.matmul %convert_element_type3A_5, %convert_element_type3A, %dot_general3A {dimension_numbers = #tpu.dot_dimension_numbers<[1], [1], [0], [0], [0, 0, 1, 0], [], []>, transpose_lhs_hint = false} : vector<1x128xbf16>, vector<10000x128xbf16>, vector<1x10000xf32> -> vector<1x10000xf32>
    %swap3A = arith.constant 0 : index
    %swap3A_7 = arith.constant 0 : index
    %swap3A_8 = arith.constant 0 : index
    %swap3A_9 = vector.load %arg3[%swap3A, %swap3A_7, %swap3A_8] : memref<1x1x10000xf32, #tpu.memory_space<vmem>>, vector<1x1x10000xf32>
    %swap3A_10 = vector.shape_cast %swap3A_9 : vector<1x1x10000xf32> to vector<1x10000xf32>
    %swap3A_11 = vector.shape_cast %dot_general3A_6 : vector<1x10000xf32> to vector<1x1x10000xf32>
    tpu.vector_store %arg3[%swap3A, %swap3A_7, %swap3A_8], %swap3A_11 {strides = array<i32>} : memref<1x1x10000xf32, #tpu.memory_space<vmem>>, vector<1x1x10000xf32>,
    return
  }
  func.func @transform_0(%arg0: i32) -> (i32, i32) {
    %c0_i32 = arith.constant 0 : i32
    %c0_i32_0 = arith.constant 0 : i32
    return %arg0, %c0_i32 : i32, i32
  }
  func.func @transform_1(%arg0: i32) -> (i32, i32) {
    %c0_i32 = arith.constant 0 : i32
    %c0_i32_0 = arith.constant 0 : i32
    %c0_i32_1 = arith.constant 0 : i32
    return %c0_i32, %c0_i32_0 : i32, i32
  }
  func.func @transform_2(%arg0: i32) -> (i32, i32, i32) {
    %c0_i32 = arith.constant 0 : i32
    %c0_i32_0 = arith.constant 0 : i32
    %c0_i32_1 = arith.constant 0 : i32
    return %arg0, %c0_i32, %c0_i32_0 : i32, i32, i32
  }
}

module attributes {stable_mosaic.version = 14 : i64} {
  func.func @_h_body(%arg0: i32, %arg1: memref<1x1x10000xi32, #tpu.memory_space<vmem>>, %arg2: memref<1x1x10000xf32, #tpu.memory_space<vmem>>, %arg3: memref<10000x128xf32, #tpu.memory_space<vmem>>, %arg4: memref<256x128xf32, #tpu.memory_space<vmem>>, %arg5: memref<256x128xf32, #tpu.memory_space<vmem>>) attributes {dimension_semantics = [#tpu.dimension_semantics<arbitrary>], iteration_bounds = array<i64: 10>, scalar_prefetch = 0 : i64, scratch_operands = 1 : i64, tpu.core_type = #tpu.core_type<tc>, window_params = [{transform_indices = @transform_0, window_bounds = array<i64: 1, 1, 10000>}, {transform_indices = @transform_1, window_bounds = array<i64: 1, 1, 10000>}, {transform_indices = @transform_2, window_bounds = array<i64: 10000, 128>}, {pipeline_mode = #tpu.pipeline_mode<synchronous>, transform_indices = @transform_3, window_bounds = array<i64: 256, 128>}]} {
    %eq3A = arith.constant 0 : i32
    %eq3A_0 = arith.cmpi eq, %arg0, %eq3A : i32
    %convert_element_type3A = arith.extui %eq3A_0 : i1 to i32
    %cond3A = arith.constant 0 : i32
    %cond3A_1 = arith.cmpi ne, %convert_element_type3A, %cond3A : i32
    scf.if %cond3A_1 {
      %broadcast_in_dim3A = arith.constant 0.000000e+00 : f32
      %broadcast_in_dim3A_50 = vector.broadcast %broadcast_in_dim3A : f32 to vector<256x128xf32>
      %swap3A = arith.constant 0 : index
      %swap3A_51 = arith.constant 0 : index
      %swap3A_52 = vector.load %arg5[%swap3A, %swap3A_51] : memref<256x128xf32, #tpu.memory_space<vmem>>, vector<256x128xf32>
      tpu.vector_store %arg5[%swap3A, %swap3A_51], %broadcast_in_dim3A_50 {strides = array<i32>} : memref<256x128xf32, #tpu.memory_space<vmem>>, vector<256x128xf32>,
    } else {
    }
    %get3A = arith.constant 0 : index
    %get3A_2 = arith.constant 0 : index
    %get3A_3 = vector.load %arg3[%get3A, %get3A_2] : memref<10000x128xf32, #tpu.memory_space<vmem>>, vector<10000x128xf32>
    %get3A_4 = arith.constant 0 : index
    %get3A_5 = arith.constant 0 : index
    %get3A_6 = arith.constant 0 : index
    %get3A_7 = vector.load %arg1[%get3A_4, %get3A_5, %get3A_6] : memref<1x1x10000xi32, #tpu.memory_space<vmem>>, vector<1x1x10000xi32>
    %get3A_8 = vector.shape_cast %get3A_7 : vector<1x1x10000xi32> to vector<1x10000xi32>
    %get3A_9 = arith.constant 0 : index
    %get3A_10 = arith.constant 0 : index
    %get3A_11 = arith.constant 0 : index
    %get3A_12 = vector.load %arg2[%get3A_9, %get3A_10, %get3A_11] : memref<1x1x10000xf32, #tpu.memory_space<vmem>>, vector<1x1x10000xf32>
    %get3A_13 = vector.shape_cast %get3A_12 : vector<1x1x10000xf32> to vector<1x10000xf32>
    %convert_element_type3A_14 = arith.truncf %get3A_13 : vector<1x10000xf32> to vector<1x10000xbf16>
    %convert_element_type3A_15 = arith.truncf %get3A_3 : vector<10000x128xf32> to vector<10000x128xbf16>
    %get3A_16 = arith.constant 0 : index
    %get3A_17 = arith.constant 0 : index
    %get3A_18 = arith.constant 0 : index
    %get3A_19 = vector.load %arg1[%get3A_16, %get3A_17, %get3A_18] : memref<1x1x10000xi32, #tpu.memory_space<vmem>>, vector<1x1x1xi32>
    %get3A_20 = vector.extract %get3A_19[0, 0, 0] : i32 from vector<1x1x1xi32>
    %get3A_21 = arith.constant 0 : index
    %get3A_22 = arith.constant 0 : index
    %get3A_23 = arith.constant 9999 : index
    %get3A_24 = vector.load %arg1[%get3A_21, %get3A_22, %get3A_23] : memref<1x1x10000xi32, #tpu.memory_space<vmem>>, vector<1x1x1xi32>
    %get3A_25 = vector.extract %get3A_24[0, 0, 0] : i32 from vector<1x1x1xi32>
    %sub3A = arith.subi %get3A_25, %get3A_20 : i32
    %le3A = arith.constant 56 : i32
    %le3A_26 = arith.cmpi sle, %sub3A, %le3A : i32
    %jit3A = arith.constant 8 : i32
    %eq3A_27 = arith.constant 0 : i32
    %eq3A_28 = arith.cmpi eq, %jit3A, %eq3A_27 : i32
    %jit3A_29 = arith.constant 1 : i32
    %select_n3A = arith.select %eq3A_28, %jit3A_29, %jit3A : i32
    %rem3A = arith.remsi %get3A_20, %select_n3A : i32
    %ne3A = arith.constant 0 : i32
    %ne3A_30 = arith.cmpi ne, %rem3A, %ne3A : i32
    %lt3A = arith.constant 0 : i32
    %lt3A_31 = arith.cmpi slt, %rem3A, %lt3A : i32
    %lt3A_32 = arith.constant 0 : i32
    %lt3A_33 = arith.cmpi slt, %select_n3A, %lt3A_32 : i32
    %ne3A_34 = arith.xori %lt3A_31, %lt3A_33 : i1
    %and3A = arith.andi %ne3A_34, %ne3A_30 : i1
    %add3A = arith.addi %rem3A, %select_n3A : i32
    %select_n3A_35 = arith.select %and3A, %add3A, %rem3A : i32
    %sub3A_36 = arith.subi %get3A_20, %select_n3A_35 : i32
    %min3A = arith.constant 192 : i32
    %min3A_37 = arith.minsi %sub3A_36, %min3A : i32
    %convert_element_type3A_38 = arith.extui %le3A_26 : i1 to i32
    %cond3A_39 = arith.constant 0 : i32
    %cond3A_40 = arith.cmpi ne, %convert_element_type3A_38, %cond3A_39 : i32
    scf.if %cond3A_40 {
      %sub3A_50 = vector.broadcast %min3A_37 : i32 to vector<1x10000xi32>
      %sub3A_51 = arith.subi %get3A_8, %sub3A_50 : vector<1x10000xi32>
      %convert_element_type3A_52 = arith.trunci %sub3A_51 : vector<1x10000xi32> to vector<1x10000xi16>
      %iota3A = tpu.iota {dimensions = array<i32: 0>} : vector<64x1xi16>
      %eq3A_53 = vector.broadcast %iota3A : vector<64x1xi16> to vector<64x10000xi16>
      %eq3A_54 = vector.broadcast %convert_element_type3A_52 : vector<1x10000xi16> to vector<64x10000xi16>
      %eq3A_55 = arith.cmpi eq, %eq3A_53, %eq3A_54 : vector<64x10000xi16>
      %jit3A_56 = arith.constant 0.000000e+00 : bf16
      %broadcast_in_dim3A = vector.shape_cast %convert_element_type3A_14 : vector<1x10000xbf16> to vector<1x10000xbf16>
      %broadcast_in_dim3A_57 = vector.broadcast %broadcast_in_dim3A : vector<1x10000xbf16> to vector<64x10000xbf16>
      %broadcast_in_dim3A_58 = vector.broadcast %jit3A_56 : bf16 to vector<64x10000xbf16>
      %select_n3A_59 = arith.select %eq3A_55, %broadcast_in_dim3A_57, %broadcast_in_dim3A_58 : vector<64x10000xi1>, vector<64x10000xbf16>
      %dot_general3A = arith.constant dense<0.000000e+00> : vector<64x128xf32>
      %dot_general3A_60 = tpu.matmul %select_n3A_59, %convert_element_type3A_15, %dot_general3A {dimension_numbers = #tpu.dot_dimension_numbers<[1], [0], [0], [1], [0, 0, 1, 1], [], []>, transpose_lhs_hint = false} : vector<64x10000xbf16>, vector<10000x128xbf16>, vector<64x128xf32> -> vector<64x128xf32>
      %get3A_61 = arith.index_cast %min3A_37 : i32 to index
      %get3A_62 = arith.constant 0 : index
      %get3A_63 = vector.load %arg5[%get3A_61, %get3A_62] : memref<256x128xf32, #tpu.memory_space<vmem>>, vector<64x128xf32>
      %add3A_64 = arith.addf %get3A_63, %dot_general3A_60 : vector<64x128xf32>
      %swap3A = arith.index_cast %min3A_37 : i32 to index
      %swap3A_65 = arith.constant 0 : index
      %swap3A_66 = vector.load %arg5[%swap3A, %swap3A_65] : memref<256x128xf32, #tpu.memory_space<vmem>>, vector<64x128xf32>
      tpu.vector_store %arg5[%swap3A, %swap3A_65], %add3A_64 {strides = array<i32>} : memref<256x128xf32, #tpu.memory_space<vmem>>, vector<64x128xf32>,
    } else {
    }
    %not3A = arith.constant true
    %not3A_41 = arith.xori %le3A_26, %not3A : i1
    %convert_element_type3A_42 = arith.extui %not3A_41 : i1 to i32
    %cond3A_43 = arith.constant 0 : i32
    %cond3A_44 = arith.cmpi ne, %convert_element_type3A_42, %cond3A_43 : i32
    scf.if %cond3A_44 {
      %iota3A = tpu.iota {dimensions = array<i32: 0>} : vector<256x1xi16>
      %convert_element_type3A_50 = arith.trunci %get3A_8 : vector<1x10000xi32> to vector<1x10000xi16>
      %eq3A_51 = vector.broadcast %iota3A : vector<256x1xi16> to vector<256x10000xi16>
      %eq3A_52 = vector.broadcast %convert_element_type3A_50 : vector<1x10000xi16> to vector<256x10000xi16>
      %eq3A_53 = arith.cmpi eq, %eq3A_51, %eq3A_52 : vector<256x10000xi16>
      %jit3A_54 = arith.constant 0.000000e+00 : bf16
      %broadcast_in_dim3A = vector.shape_cast %convert_element_type3A_14 : vector<1x10000xbf16> to vector<1x10000xbf16>
      %broadcast_in_dim3A_55 = vector.broadcast %broadcast_in_dim3A : vector<1x10000xbf16> to vector<256x10000xbf16>
      %broadcast_in_dim3A_56 = vector.broadcast %jit3A_54 : bf16 to vector<256x10000xbf16>
      %select_n3A_57 = arith.select %eq3A_53, %broadcast_in_dim3A_55, %broadcast_in_dim3A_56 : vector<256x10000xi1>, vector<256x10000xbf16>
      %dot_general3A = arith.constant dense<0.000000e+00> : vector<256x128xf32>
      %dot_general3A_58 = tpu.matmul %select_n3A_57, %convert_element_type3A_15, %dot_general3A {dimension_numbers = #tpu.dot_dimension_numbers<[1], [0], [0], [1], [0, 0, 1, 1], [], []>, transpose_lhs_hint = false} : vector<256x10000xbf16>, vector<10000x128xbf16>, vector<256x128xf32> -> vector<256x128xf32>
      %get3A_59 = arith.constant 0 : index
      %get3A_60 = arith.constant 0 : index
      %get3A_61 = vector.load %arg5[%get3A_59, %get3A_60] : memref<256x128xf32, #tpu.memory_space<vmem>>, vector<256x128xf32>
      %add3A_62 = arith.addf %get3A_61, %dot_general3A_58 : vector<256x128xf32>
      %swap3A = arith.constant 0 : index
      %swap3A_63 = arith.constant 0 : index
      %swap3A_64 = vector.load %arg5[%swap3A, %swap3A_63] : memref<256x128xf32, #tpu.memory_space<vmem>>, vector<256x128xf32>
      tpu.vector_store %arg5[%swap3A, %swap3A_63], %add3A_62 {strides = array<i32>} : memref<256x128xf32, #tpu.memory_space<vmem>>, vector<256x128xf32>,
    } else {
    }
    %eq3A_45 = arith.constant 9 : i32
    %eq3A_46 = arith.cmpi eq, %arg0, %eq3A_45 : i32
    %convert_element_type3A_47 = arith.extui %eq3A_46 : i1 to i32
    %cond3A_48 = arith.constant 0 : i32
    %cond3A_49 = arith.cmpi ne, %convert_element_type3A_47, %cond3A_48 : i32
    scf.if %cond3A_49 {
      %get3A_50 = arith.constant 0 : index
      %get3A_51 = arith.constant 0 : index
      %get3A_52 = vector.load %arg5[%get3A_50, %get3A_51] : memref<256x128xf32, #tpu.memory_space<vmem>>, vector<256x128xf32>
      %swap3A = arith.constant 0 : index
      %swap3A_53 = arith.constant 0 : index
      %swap3A_54 = vector.load %arg4[%swap3A, %swap3A_53] : memref<256x128xf32, #tpu.memory_space<vmem>>, vector<256x128xf32>
      tpu.vector_store %arg4[%swap3A, %swap3A_53], %get3A_52 {strides = array<i32>} : memref<256x128xf32, #tpu.memory_space<vmem>>, vector<256x128xf32>,
    } else {
    }
    return
  }
  func.func @transform_0(%arg0: i32) -> (i32, i32, i32) {
    %c0_i32 = arith.constant 0 : i32
    %c0_i32_0 = arith.constant 0 : i32
    %c0_i32_1 = arith.constant 0 : i32
    return %arg0, %c0_i32, %c0_i32_0 : i32, i32, i32
  }
  func.func @transform_1(%arg0: i32) -> (i32, i32, i32) {
    %c0_i32 = arith.constant 0 : i32
    %c0_i32_0 = arith.constant 0 : i32
    %c0_i32_1 = arith.constant 0 : i32
    return %arg0, %c0_i32, %c0_i32_0 : i32, i32, i32
  }
  func.func @transform_2(%arg0: i32) -> (i32, i32) {
    %c0_i32 = arith.constant 0 : i32
    %c0_i32_0 = arith.constant 0 : i32
    return %arg0, %c0_i32 : i32, i32
  }
  func.func @transform_3(%arg0: i32) -> (i32, i32) {
    %c0_i32 = arith.constant 0 : i32
    %c0_i32_0 = arith.constant 0 : i32
    %c0_i32_1 = arith.constant 0 : i32
    return %c0_i32, %c0_i32_0 : i32, i32
  }
}

</mosaic_0001>

<sc_bundles>
// kernel: kernel.5.cloned.1.call-start
scs
__scs_entry_jumppad:
0x0: {  	(pc) =	sbr.rel $0x88, $3  }
0x1: {  	(tag) =	ssettag $0x0;
	lr =	simm.s32 $0x1  }
0x2: {  	[smem:$0x3F9E] =	sst lr;
	_ =	strace $0xD0000000  }
0x3: {  	_ = 	snop  }
0x4: {  	_ = 	snop  }
0x5: {  	_ = 	snop  }
0x6: {  	_ = 	snop  }
0x7: {  	_ = 	snop  }
__scs_overlays_trampoline_lowered:
0x8: {  	[smem:$0x3FAD] =	sst s0  }
0x9: {  	[smem:$0x3FAE] =	sst s1  }
0xa: {  	[smem:$0x3FAF] =	sst s2  }
0xb: {  	[smem:$0x3FB0] =	sst s3  }
0xc: {  	[smem:$0x3FB1] =	sst s4  }
0xd: {  	[smem:$0x3FB2] =	sst s5  }
0xe: {  	[smem:$0x3FB3] =	sst s6  }
0xf: {  	[smem:$0x3FB4] =	sst s7  }
0x10: {  	[smem:$0x3FB5] =	sst s8  }
0x11: {  	[smem:$0x3FB6] =	sst s9;
	s0 =	simm.s32 @!p0 $0x0  }
0x12: {  	s1 =	sld [smem:$0x3F9C];
	s0 =	simm.s32 @p0 $0x1  }
0x13: {  	[smem:$0x3FB7] =	sst s0;
	s0 =	simm.s32 @!p1 $0x0  }
0x14: {  	s2 =	sld [smem:$0x3F9B];
	s0 =	simm.s32 @p1 $0x1  }
0x15: {  	[smem:$0x3FB8] =	sst s0;
	s0 =	simm.s32 @!p2 $0x0  }
0x16: {  	s3 =	sld [smem:$0x3FDB];
	s0 =	simm.s32 @p2 $0x1  }
0x17: {  	s4 =	simm.s32 $0x1BF5;
	[smem:$0x3FBA] =	sst s0  }
0x18: {  	s0 =	sld [smem:$0x3F9D];
	_ =	swait.ge [sflag:s4], $0x0  }
0x19: {  	s7 =	sld [smem:$0x3F9E]  }
0x1a: {  	s8 =	sadd.s32 $0xFFFFE003, lr  }
0x1b: {  	s9 =	sadd.s32 $0xFFFFFEF7, lr;
	s5 =	simm.s32 $0xFFFFFFFF;
	p2 =	slt.u32 s8, $0xFFFFF086  }
0x1c: {  	p1 =	slt.u32 s9, $0xF7A;
	s5 =	simm.s32 @!p2 $0x0  }
0x1d: {  	s5 =	simm.s32 @p1 $0x1;
	p0 =	seq.s32 s7, s2  }
0x1e: {  	s7 =	smul.u32 @!p0 $0xF7A, s2;
	p2 =	seq.s32 @!p0 s5, $0x0  }
0x1f: {  	s9 =	smul.u32 $0xF7A, s1;
	s8 =	simm.s32 @!p0 $0x1BF5;
	p2 =	por !p2, p0  }
0x20: {  	[sflag:s8] =	ssyncset.s32 @!p0 $0xFFFFF086;
	s6 =	sadd.s32 @!p0 s3, s7;
	s7 =	simm.s32 @!p0 $0x108  }
0x21: {  	s3 =	sadd.s32 s3, s9;
	s6 =	sadd.s32 @!p0 $0x88, s6;
	s7 =	simm.s32 @p2 $0x1082  }
0x22: {  	[simem:s7], [sflag:s8] =	dma.local @!p0 [hbm:s6], $0xF7A  }
0x23: {  	s9 =	sor.u32 $0xD0000000, s2;
	s6 =	simm.s32 $0x108;
	_ =	swait.ge @!p0 [sflag:s8], $0x0  }
0x24: {  	s3 =	sadd.s32 $0x88, s3;
	s6 =	simm.s32 @!p1 $0x1082;
	[sflag:s4] =	ssyncset.s32 $0xFFFFF086  }
0x25: {  	[simem:s6], [sflag:s4] =	dma.local [hbm:s3], $0xF7A  }
0x26: {  	[smem:$0x3F9E] =	sst s1;
	(tag) =	ssettag s2;
	_ =	strace s9  }
0x27: {  	s1 =	sld [smem:$0x3FAE]  }
0x28: {  	s2 =	sld [smem:$0x3FAF]  }
0x29: {  	s4 =	sld [smem:$0x3FB1]  }
0x2a: {  	p0 =	seq.s32 s5, $0x0;
	s5 =	sld [smem:$0x3FB2]  }
0x2b: {  	s6 =	sld [smem:$0x3FB3]  }
0x2c: {  	s7 =	sld [smem:$0x3FB4]  }
0x2d: {  	s3 =	simm.s32 $0x108;
	s8 =	sld [smem:$0x3FB5]  }
0x2e: {  	s3 =	simm.s32 @!p0 $0x1082;
	s9 =	sld [smem:$0x3FB6]  }
0x2f: {  	lr =	sadd.s32 s0, s3;
	s0 =	sld [smem:$0x3FAD]  }
0x30: {  	s3 =	sld [smem:$0x3FB0]  }
0x31: {  	[smem:$0x3FB9] =	sst s10  }
0x32: {  	s10 =	sld [smem:$0x3FB7];
	_ =	sdelay $0x3  }
0x33: {  	p0 =	seq.s32 s10, $0x1;
	s10 =	sld [smem:$0x3FB9];
	_ =	sdelay $0x3  }
0x34: {  	[smem:$0x3FB9] =	sst s10  }
0x35: {  	s10 =	sld [smem:$0x3FB8];
	_ =	sdelay $0x3  }
0x36: {  	p1 =	seq.s32 s10, $0x1;
	s10 =	sld [smem:$0x3FB9];
	_ =	sdelay $0x3  }
0x37: {  	[smem:$0x3FB9] =	sst s10  }
0x38: {  	s10 =	sld [smem:$0x3FBA]  }
0x39: {  	_ = 	snop;
	(pc) =	sbr.ind lr, $3  }
0x3a: {  	_ = 	snop  }
0x3b: {  	_ = 	snop  }
0x3c: {  	p2 =	seq.s32 s10, $0x1;
	s10 =	sld [smem:$0x3FB9]  }
0x3d: {  	_ =	shalt  }
0x3e: {  	_ =	shalt  }
0x3f: {  	_ =	shalt  }
0x40: {  	_ =	shalt  }
0x41: {  	_ =	shalt  }
0x42: {  	_ =	shalt  }
0x43: {  	_ =	shalt  }
0x44: {  	_ =	shalt  }
0x45: {  	_ =	shalt  }
0x46: {  	_ =	shalt  }
0x47: {  	_ =	shalt  }
0x48: {  	_ =	shalt  }
0x49: {  	_ =	shalt  }
0x4a: {  	_ =	shalt  }
0x4b: {  	_ =	shalt  }
0x4c: {  	_ =	shalt  }
0x4d: {  	_ =	shalt  }
0x4e: {  	_ =	shalt  }
0x4f: {  	_ =	shalt  }
0x50: {  	_ =	shalt  }
0x51: {  	_ =	shalt  }
0x52: {  	_ =	shalt  }
0x53: {  	_ =	shalt  }
0x54: {  	_ =	shalt  }
0x55: {  	_ =	shalt  }
0x56: {  	_ =	shalt  }
0x57: {  	_ =	shalt  }
0x58: {  	_ =	shalt  }
0x59: {  	_ =	shalt  }
0x5a: {  	_ =	shalt  }
0x5b: {  	_ =	shalt  }
0x5c: {  	_ =	shalt  }
0x5d: {  	_ =	shalt  }
0x5e: {  	_ =	shalt  }
0x5f: {  	_ =	shalt  }
0x60: {  	_ =	shalt  }
0x61: {  	_ =	shalt  }
0x62: {  	_ =	shalt  }
0x63: {  	_ =	shalt  }
0x64: {  	_ =	shalt  }
0x65: {  	_ =	shalt  }
0x66: {  	_ =	shalt  }
0x67: {  	_ =	shalt  }
0x68: {  	_ =	shalt  }
0x69: {  	_ =	shalt  }
0x6a: {  	_ =	shalt  }
0x6b: {  	_ =	shalt  }
0x6c: {  	_ =	shalt  }
0x6d: {  	_ =	shalt  }
0x6e: {  	_ =	shalt  }
0x6f: {  	_ =	shalt  }
0x70: {  	_ =	shalt  }
0x71: {  	_ =	shalt  }
0x72: {  	_ =	shalt  }
0x73: {  	_ =	shalt  }
0x74: {  	_ =	shalt  }
0x75: {  	_ =	shalt  }
0x76: {  	_ =	shalt  }
0x77: {  	_ =	shalt  }
0x78: {  	_ =	shalt  }
0x79: {  	_ =	shalt  }
0x7a: {  	_ =	shalt  }
0x7b: {  	_ =	shalt  }
0x7c: {  	_ =	shalt  }
0x7d: {  	_ =	shalt  }
0x7e: {  	_ =	shalt  }
0x7f: {  	_ =	shalt  }
0x80: {  	_ =	shalt  }
0x81: {  	_ =	shalt  }
0x82: {  	_ =	shalt  }
0x83: {  	_ =	shalt  }
0x84: {  	_ =	shalt  }
0x85: {  	_ =	shalt  }
0x86: {  	_ =	shalt  }
0x87: {  	_ =	shalt  }
.Lfunc_end0:
.L_simem_size_0:
called_computation_lowered:
.L_overlay_start_0:
0x88: {  	s0 =	sld [smem:$0x3FD9]  }
0x89: {  	s1 =	sld [smem:$0x3FFE];
	_ =	sdelay $0x3  }
0x8a: {  	s0 =	sadd.s32 s1, s0  }
0x8b: {  	[smem:$0x3FC5] =	sst s0  }
0x8c: {  	_ = 	snop  }
0x8d: {  	s0 =	sld [smem:$0x3FD0];
	(tm) =	ssettm $0x1  }
0x8e: {  	s16 =	sld [smem:$0x3FFB];
	_ =	sdelay $0x3  }
0x8f: {  	_ =	strace s16  }
0x90: {  	s1 =	sld [smem:$0x3FFC];
	_ =	sdelay $0x3  }
0x91: {  	_ =	strace s1  }
0x92: {  	s1 =	sld [smem:$0x3FFD];
	_ =	sdelay $0x3  }
0x93: {  	_ =	strace s1  }
0x94: {  	_ =	strace $0x8FFFFFFF  }
0x95: {  	s17 =	sld [smem:$0x3FDB];
	_ =	sdelay $0x1  }
0x96: {  	s2 =	simm.s32 $_scs_section_size  }
0x97: {  	s3 =	simm.s32 $_size__tile_overlayer_lowered;
	s4 =	simm.s32 $_tile_overlayer_lowered  }
0x98: {  	s20 =	simm.s32 $0x1BFF;
	s19 =	sshll.u32 s4, $0x1;
	s1 =	sadd.s32 s2, s17  }
0x99: {  	s5 =	simm.s32 $0x0;
	s18 =	sshll.u32 s3, $0x1;
	s3 =	sadd.s32 s19, s1  }
0x9a: {  	[timem:s5], [sflag:s20] =	dma.local [hbm:s3], s18  }
0x9b: {  	_ =	swait.ge [sflag:s20], s18  }
0x9c: {  	s2 =	ssub.s32 $0x0, s18;
	[sflag:s20] =	ssyncset.done $0x0  }
0x9d: {  	[sflag:s20] =	ssyncadd.s32 s2;
	_ =	sdelay $0x1  }
0x9e: {  	s21 =	simm.s32 $0x1B8B  }
0x9f: {  	_ =	swait.ge [sflag:s21], $0x1  }
0xa0: {  	[sflag:s21] =	ssyncset.done $0x0  }
0xa1: {  	s23 =	simm.s32 $0x1B8E;
	s22 =	sld [smem:$0x3FFE];
	[sflag:s21] =	ssyncadd.s32 $0xFFFFFFFF  }
0xa2: {  	s24 =	simm.s32 $execute0_lowered;
	[smem:$0x3FD2] =	sst s23  }
0xa3: {  	s3 =	sshll.u32 s24, $0x1;
	_ =	strace $0x80000046;
	[dreg:$0x1] =	wrdreg $0xFFFFFFFF  }
0xa4: {  	s25 =	simm.s32 $_size_execute0_lowered;
	s1 =	sadd.s32 s1, s3;
	[dreg:$0x0] =	wrdreg $0x0  }
0xa5: {  	s3 =	sshll.u32 s25, $0x1;
	[dreg:$0x2] =	wrdreg s1  }
0xa6: {  	[dreg:$0x3] =	wrdreg s3  }
0xa7: {  	[dreg:$0x4] =	wrdreg $0xC0  }
0xa8: {  	_ =	task [dreg:s5], $0x5FFFF  }
0xa9: {  	[dreg:$0x1] =	wrdreg $0xFFFFFFFF  }
0xaa: {  	[dreg:$0x0] =	wrdreg $0x60  }
0xab: {  	[dreg:$0x2] =	wrdreg s22  }
0xac: {  	[dreg:$0x3] =	wrdreg s0  }
0xad: {  	[dreg:$0x4] =	wrdreg $0x72000  }
0xae: {  	[dreg:$0x5] =	wrdreg $0x73000  }
0xaf: {  	[dreg:$0x6] =	wrdreg $0x9  }
0xb0: {  	_ =	task.clear_ibuf [dreg:s5], $0x7FFFF;
	_ =	strace $0x90000046  }
0xb1: {  	s26 =	simm.s32 $0x9;
	_ =	strace $0x80000048  }
0xb2: {  	_ =	swait.ge [sflag:s26], $0x1  }
0xb3: {  	[sflag:s26] =	ssyncadd.s32 $0xFFFFFFFF  }
0xb4: {  	_ =	strace $0x90000048  }
0xb5: {  	_ =	sfence  }
0xb6: {  	s28 =	sld [smem:$0x0];
	_ =	sdelay $0x1  }
0xb7: {  	s29 =	srdreg.scid  }
0xb8: {  	s30 =	sshll.u32 s29, $0xD;
	s31 =	sshrl.u32 s29, $0x2  }
0xb9: {  	s2 =	sand.u32 $0x4000, s30;
	s1 =	sand.u32 $0x1, s29;
	s0 =	sadd.s32 s31, s28  }
0xba: {  	s1 =	sor.u32 s2, s1;
	s0 =	sshll.u32 s0, $0x11  }
0xbb: {  	s0 =	sor.u32 s0, s1  }
0xbc: {  	s0 =	sadd.s32 $0x8F2B, s0  }
0xbd: {  	[sflag:s0] =	ssyncadd.remote.s32 $0x1  }
0xbe: {  	_ =	sfence.sel $0xFFFF  }
0xbf: {  	[dreg:$0x0] =	wrdreg $0xFFFFFFFF;
	(pc) =	sbr.abs _section_cstart, $3  }
0xc0: {  	[dreg:$0x1] =	wrdreg $0xFFFFFFFF  }
0xc1: {  	_ =	task.clear_ibuf [dreg:s5], $0x2FFFF;
	_ =	strace $0x9FFFFFFF  }
0xc2: {  	(tm) =	ssettm $0x7FFFFFFF  }
0xc3: {  	_ =	shalt  }
tec
execute0_lowered:
.L_overlay_start_1:
0x0: {  	(tag) =	ssettag $0x1  }
0x1: {  	s1 =	rddreg [dreg:$0x0]  }
0x2: {  	s3 =	rddreg [dreg:$0x1]  }
0x3: {  	s7 =	rddreg [dreg:$0x2];
	s10 =	stileid.u32  }
0x4: {  	s2 =	rddreg [dreg:$0x3];
	s5 =	smul.u32 $0x380, s10  }
0x5: {  	s0 =	rddreg [dreg:$0x4];
	s4 =	simm.s32 $0x0  }
0x6: {  	s30 =	simm.s32 $0x2;
	[smem:$0x7FF] =	sst s4;
	s6 =	sadd.s32 s5, s1  }
0x7: {  	s31 =	simm.s32 $0x0;
	_ =	strace $0x80000047;
	s8 =	sadd.s32 $0x800, s6  }
0x8: {  	[tilespmem:s4], [sflag:$0x2] =	stream.linear.gather [hbm4b:s8+s4], $0x1C00, $0x38;
	[tilespmem:$0x7310] =	vst v63  }
0x9: {  	s9 =	simm.s32 $0x1C00;
	s11 =	sand.u32 $0xFFFFFF80, s31;
	_ =	swait.ge [sflag:s30], $0x1C00  }
0xa: {  	s12 =	sand.u32 $0x70, s4;
	s11 =	ssub.s32 $0x0, s11;
	[sflag:s30] =	ssyncset.done $0x0  }
0xb: {  	s11 =	sand.u32 $0xFFFFFF80, s11;
	s6 =	sadd.s32 $0x4000, s6;
	[sflag:s30] =	ssyncadd.s32 $0xFFFFE400  }
0xc: {  	[tilespmem:s9], [sflag:$0x2] =	stream.linear.gather [hbm4b:s6+s4], $0x1C00, $0x38;
	[tilespmem:$0x7310] =	vst v63  }
0xd: {  	s8 =	simm.s32 $0x1;
	s9 =	sand.u32 $0x3FFFFF80, s31;
	_ =	swait.ge [sflag:s30], $0x1C00  }
0xe: {  	s6 =	sadd.s32 $0x7A00, s1;
	s9 =	sadd.s32 s11, s9;
	[sflag:s30] =	ssyncset.done $0x0  }
0xf: {  	v0 =	vimm.f32 $-1.000000020e+30;
	s1 =	sadd.s32 $0x7800, s1;
	s9 =	sor.u32 s12, s9;
	[sflag:s30] =	ssyncadd.s32 $0xFFFFE400  }
.LBB2_1:
0x10: {  	s11 =	sshll.u32 s8, $0x4;
	p0 =	sne.s32 s8, $0x1BF;
	s8 =	sadd.s32 $0x1, s8;
	v1 =	vld [tilespmem:s9+$0x0]  }
.Ltmp0:
0x11: {  	s4 =	sadd.s32 $0x10, s4;
	s9 =	sand.u32 $0xFFFFFF80, s11;
	(pc) =	sbr.rel @p0 .LBB2_1-.Ltmp0, $4  }
0x12: {  	s9 =	ssub.s32 s4, s9  }
0x13: {  	s11 =	sand.u32 $0x3FFFFF80, s11;
	s9 =	sand.u32 $0xFFFFFF80, s9  }
0x14: {  	s12 =	sand.u32 $0x70, s4;
	s9 =	sadd.s32 s9, s11  }
0x15: {  	s9 =	sor.u32 s12, s9;
	v0 =	vmax.f32 v0, v1  }
0x16: {  	v1 =	vld [tilespmem:s9+$0x0];
	_ =	sdelay $0x4  }
0x17: {  	v0 =	vmax.f32 v0, v1  }
0x18: {  	(v2sf) =	vpush v0, $0x0  }
0x19: {  	(v2sf) =	vpush v0, $0x1  }
0x1a: {  	(v2sf) =	vpush v0, $0x2  }
0x1b: {  	(v2sf) =	vpush v0, $0x3  }
0x1c: {  	(v2sf) =	vpush v0, $0x4  }
0x1d: {  	(v2sf) =	vpush v0, $0x5  }
0x1e: {  	(v2sf) =	vpush v0, $0x6  }
0x1f: {  	(v2sf) =	vpush v0, $0x7  }
0x20: {  	(v2sf) =	vpush v0, $0x8  }
0x21: {  	(v2sf) =	vpush v0, $0x9  }
0x22: {  	(v2sf) =	vpush v0, $0xA  }
0x23: {  	(v2sf) =	vpush v0, $0xB  }
0x24: {  	(v2sf) =	vpush v0, $0xC  }
0x25: {  	(v2sf) =	vpush v0, $0xD  }
0x26: {  	(v2sf) =	vpush v0, $0xE  }
0x27: {  	s4 =	spop (v2sf);
	(v2sf) =	vpush v0, $0xF  }
0x28: {  	s8 =	spop (v2sf)  }
0x29: {  	s16 =	spop (v2sf);
	s4 =	smax.f32 s4, s8  }
0x2a: {  	s17 =	spop (v2sf);
	s4 =	smax.f32 s4, s16  }
0x2b: {  	s18 =	spop (v2sf);
	s4 =	smax.f32 s4, s17  }
0x2c: {  	s19 =	spop (v2sf);
	s4 =	smax.f32 s4, s18  }
0x2d: {  	s20 =	spop (v2sf);
	s4 =	smax.f32 s4, s19  }
0x2e: {  	s21 =	spop (v2sf);
	s4 =	smax.f32 s4, s20  }
0x2f: {  	s22 =	spop (v2sf);
	s4 =	smax.f32 s4, s21  }
0x30: {  	v1 =	vld [tilespmem:$0x37F0];
	s23 =	spop (v2sf);
	s4 =	smax.f32 s4, s22  }
0x31: {  	s24 =	spop (v2sf);
	s4 =	smax.f32 s4, s23  }
0x32: {  	v0 =	vld.msk [tilespmem:$0x1C00 ss:$0x0], $0xffff;
	s25 =	spop (v2sf);
	s4 =	smax.f32 s4, s24  }
0x33: {  	s26 =	spop (v2sf);
	s4 =	smax.f32 s4, s25  }
0x34: {  	s28 =	spop (v2sf);
	s4 =	smax.f32 s4, s26  }
0x35: {  	s30 =	simm.s32 $0x0;
	v2 =	vlaneseq.u32;
	v1 =	vbroadcast v1, $0xF;
	s29 =	spop (v2sf);
	s4 =	smax.f32 s4, s28  }
0x36: {  	v3 =	vor.u32 s30, v2;
	s4 =	smax.f32 s4, s29;
	s31 =	spop (v2sf)  }
0x37: {  	vm1 =	vle.s32 v3, v1;
	vm0 =	vge.s32 v3, v0;
	s4 =	smax.f32 s4, s31  }
0x38: {  	vm0 =	vmand vm0, vm1;
	v3 =	vmov s4  }
0x39: {  	s4 =	simm.s32 $0x7000;
	v4 =	vnsel vm0, $0xF149F2CA, v3  }
0x3a: {  	s8 =	simm.s32 $0x10;
	[tilespmem:s4+$0x0] =	vst v4  }
.LBB2_3:
0x3b: {  	p0 =	sne.s32 s8, $0xF0  }
.Ltmp1:
0x3c: {  	v4 =	vor.u32 s8, v2;
	s8 =	sadd.s32 $0x10, s8;
	(pc) =	sbr.rel @p0 .LBB2_3-.Ltmp1, $4  }
0x3d: {  	vm0 =	vge.s32 v4, v0;
	vm1 =	vle.s32 v4, v1  }
0x3e: {  	vm0 =	vmand vm0, vm1  }
0x3f: {  	s4 =	sadd.s32 $0x10, s4;
	v4 =	vnsel vm0, $0xF149F2CA, v3  }
0x40: {  	[tilespmem:s4+$0x0] =	vst v4  }
0x41: {  	s4 =	sshll.u32 s10, $0x8  }
0x42: {  	s8 =	sshll.u32 s10, $0x7;
	s4 =	sand.u32 $0x800, s4  }
0x43: {  	s9 =	simm.s32 $0x400;
	s8 =	sand.u32 $0x380, s8;
	s4 =	sadd.s32 s4, s7  }
0x44: {  	s11 =	simm.s32 $0x7000;
	s4 =	sadd.s32 s8, s4;
	s8 =	simm.s32 $0x80  }
0x45: {  	[spmem:s4] =	stream.strided.scatter [tilespmem:s11], [sflag:$0x2], $0x100, s9, s8, $0x38;
	[tilespmem:$0x7310] =	vst v63  }
0x46: {  	p0 =	sne.s32 s10, $0x0;
	s4 =	simm.s32 $0x2  }
.Ltmp2:
0x47: {  	_ =	swait.ge [sflag:s4], $0x100;
	(pc) =	sbr.rel @p0 .LBB2_8-.Ltmp2, $3  }
0x48: {  	[sflag:s4] =	ssyncset.done $0x0  }
0x49: {  	[sflag:s4] =	ssyncadd.s32 $0xFFFFFF00  }
0x4a: {  	[bflag:$0x0] =	sbarrier.arrive $0xFFFF;
	_ =	sdelay $0x1  }
0x4b: {  	s10 =	simm.s32 $0x100  }
0x4c: {  	s10 =	sand.u32 $0x800, s10  }
0x4d: {  	s11 =	sand.u32 $0x380, s8;
	s12 =	sadd.s32 s10, s7  }
0x4e: {  	s10 =	simm.s32 $0x7100;
	s11 =	sadd.s32 s11, s12  }
0x4f: {  	[tilespmem:s10], [sflag:$0x2] =	stream.strided.gather [spmem:s11], $0x100, s9, s8, $0x38;
	[tilespmem:$0x7310] =	vst v63  }
0x50: {  	_ =	swait.ge [sflag:s4], $0x100  }
0x51: {  	[sflag:s4] =	ssyncset.done $0x0  }
0x52: {  	[sflag:s4] =	ssyncadd.s32 $0xFFFFFF00  }
0x53: {  	v2 =	vld [tilespmem:$0x71F0]  }
0x54: {  	v3 =	vld [tilespmem:$0x71B0]  }
0x55: {  	v4 =	vld [tilespmem:$0x71E0]  }
0x56: {  	v0 =	vld [tilespmem:$0x7100]  }
0x57: {  	v1 =	vld [tilespmem:$0x7110]  }
0x58: {  	s12 =	simm.s32 $0x80;
	s11 =	simm.s32 $0x200;
	v5 =	vld [tilespmem:$0x71A0]  }
.LBB2_6:
0x59: {  	p1 =	sne.s32 s11, $0xF00  }
0x5a: {  	v6 =	vld [tilespmem:$0x7190];
	s12 =	sadd.s32 $0x80, s12;
	s13 =	smov.u32 s11;
	s11 =	sadd.s32 $0x100, s11  }
0x5b: {  	v7 =	vld [tilespmem:$0x7180]  }
0x5c: {  	v8 =	vld [tilespmem:$0x7170]  }
0x5d: {  	v9 =	vld [tilespmem:$0x70A0]  }
0x5e: {  	v10 =	vld [tilespmem:$0x7120]  }
0x5f: {  	v11 =	vld [tilespmem:$0x7090]  }
0x60: {  	v12 =	vld [tilespmem:$0x7160]  }
0x61: {  	v13 =	vld [tilespmem:$0x71D0]  }
0x62: {  	v14 =	vld [tilespmem:$0x7150];
	v5 =	vmax.f32 v9, v5  }
0x63: {  	v9 =	vld [tilespmem:$0x7080];
	[tilespmem:$0x70A0] =	vst v5  }
0x64: {  	v5 =	vld [tilespmem:$0x7070];
	v6 =	vmax.f32 v11, v6  }
0x65: {  	[tilespmem:$0x7090] =	vst v6;
	v6 =	vld [tilespmem:$0x71C0]  }
0x66: {  	v11 =	vld [tilespmem:$0x7060]  }
0x67: {  	v15 =	vld [tilespmem:$0x7130]  }
0x68: {  	v16 =	vld [tilespmem:$0x7140];
	v7 =	vmax.f32 v9, v7  }
0x69: {  	v9 =	vld [tilespmem:$0x7050];
	v5 =	vmax.f32 v5, v8;
	[tilespmem:$0x7080] =	vst v7  }
0x6a: {  	v7 =	vld [tilespmem:$0x7040];
	[tilespmem:$0x7070] =	vst v5  }
0x6b: {  	v5 =	vmax.f32 v11, v12;
	v8 =	vld [tilespmem:$0x70E0]  }
0x6c: {  	[tilespmem:$0x7060] =	vst v5;
	v5 =	vld [tilespmem:$0x70B0]  }
0x6d: {  	v11 =	vld [tilespmem:$0x70C0]  }
0x6e: {  	v9 =	vmax.f32 v9, v14;
	v12 =	vld [tilespmem:$0x70D0]  }
0x6f: {  	v7 =	vmax.f32 v7, v16;
	[tilespmem:$0x7050] =	vst v9;
	v9 =	vld [tilespmem:$0x70F0]  }
0x70: {  	v14 =	vld [tilespmem:$0x7020];
	[tilespmem:$0x7040] =	vst v7;
	v4 =	vmax.f32 v8, v4  }
0x71: {  	v7 =	vld [tilespmem:$0x7030];
	v3 =	vmax.f32 v5, v3;
	[tilespmem:$0x70E0] =	vst v4  }
0x72: {  	v4 =	vld [tilespmem:$0x7010];
	[tilespmem:$0x70B0] =	vst v3;
	v3 =	vmax.f32 v11, v6  }
0x73: {  	v5 =	vld [tilespmem:$0x7000];
	[tilespmem:$0x70C0] =	vst v3;
	v3 =	vmax.f32 v12, v13  }
0x74: {  	[tilespmem:$0x70D0] =	vst v3;
	v2 =	vmax.f32 v9, v2  }
0x75: {  	v3 =	vmax.f32 v14, v10;
	[tilespmem:$0x70F0] =	vst v2  }
0x76: {  	[tilespmem:$0x7020] =	vst v3;
	v2 =	vmax.f32 v7, v15  }
0x77: {  	s13 =	sand.u32 $0x800, s13;
	v1 =	vmax.f32 v4, v1;
	[tilespmem:$0x7030] =	vst v2  }
0x78: {  	s14 =	sand.u32 $0x380, s12;
	s13 =	sadd.s32 s13, s7;
	v0 =	vmax.f32 v5, v0;
	[tilespmem:$0x7010] =	vst v1  }
0x79: {  	s13 =	sadd.s32 s14, s13;
	[tilespmem:$0x7000] =	vst v0  }
0x7a: {  	[tilespmem:s10], [sflag:$0x2] =	stream.strided.gather [spmem:s13], $0x100, s9, s8, $0x38;
	[tilespmem:$0x7310] =	vst v63  }
0x7b: {  	_ =	swait.ge [sflag:s4], $0x100  }
0x7c: {  	[sflag:s4] =	ssyncset.done $0x0  }
0x7d: {  	[sflag:s4] =	ssyncadd.s32 $0xFFFFFF00  }
0x7e: {  	v2 =	vld [tilespmem:$0x71F0]  }
.Ltmp3:
0x7f: {  	v3 =	vld [tilespmem:$0x71B0];
	(pc) =	sbr.rel @p1 .LBB2_6-.Ltmp3, $4  }
0x80: {  	v4 =	vld [tilespmem:$0x71E0]  }
0x81: {  	v0 =	vld [tilespmem:$0x7100]  }
0x82: {  	v1 =	vld [tilespmem:$0x7110]  }
0x83: {  	v5 =	vld [tilespmem:$0x71A0]  }
0x84: {  	v6 =	vld [tilespmem:$0x7190]  }
0x85: {  	v7 =	vld [tilespmem:$0x7180]  }
0x86: {  	v8 =	vld [tilespmem:$0x7170]  }
0x87: {  	v9 =	vld [tilespmem:$0x70A0]  }
0x88: {  	v10 =	vld [tilespmem:$0x7120]  }
0x89: {  	v11 =	vld [tilespmem:$0x7090]  }
0x8a: {  	v12 =	vld [tilespmem:$0x7160]  }
0x8b: {  	v13 =	vld [tilespmem:$0x71D0]  }
0x8c: {  	v14 =	vld [tilespmem:$0x7150]  }
0x8d: {  	v15 =	vld [tilespmem:$0x7080]  }
0x8e: {  	v16 =	vld [tilespmem:$0x7070]  }
0x8f: {  	v17 =	vld [tilespmem:$0x71C0]  }
0x90: {  	v18 =	vld [tilespmem:$0x7060]  }
0x91: {  	v19 =	vld [tilespmem:$0x7130]  }
0x92: {  	v20 =	vld [tilespmem:$0x7140]  }
0x93: {  	v44 =	vld [tilespmem:$0x7050];
	v5 =	vmax.f32 v9, v5  }
0x94: {  	v46 =	vld [tilespmem:$0x7040];
	v45 =	vmax.f32 v11, v6;
	[tilespmem:$0x70A0] =	vst v5  }
0x95: {  	v48 =	vld [tilespmem:$0x70E0];
	v47 =	vmax.f32 v15, v7;
	[tilespmem:$0x7090] =	vst v45  }
0x96: {  	v49 =	vld [tilespmem:$0x70B0];
	v8 =	vmax.f32 v16, v8;
	[tilespmem:$0x7080] =	vst v47  }
0x97: {  	v51 =	vld [tilespmem:$0x70C0];
	v50 =	vmax.f32 v18, v12;
	[tilespmem:$0x7070] =	vst v8  }
0x98: {  	v53 =	vld [tilespmem:$0x70D0];
	v52 =	vmax.f32 v44, v14;
	[tilespmem:$0x7060] =	vst v50  }
0x99: {  	v54 =	vld [tilespmem:$0x70F0];
	v6 =	vmax.f32 v46, v20;
	[tilespmem:$0x7050] =	vst v52  }
0x9a: {  	v55 =	vld [tilespmem:$0x7020];
	v4 =	vmax.f32 v48, v4;
	[tilespmem:$0x7040] =	vst v6  }
0x9b: {  	v56 =	vld [tilespmem:$0x7030];
	v3 =	vmax.f32 v49, v3;
	[tilespmem:$0x70E0] =	vst v4  }
0x9c: {  	v57 =	vld [tilespmem:$0x7010];
	v58 =	vmax.f32 v51, v17;
	[tilespmem:$0x70B0] =	vst v3  }
0x9d: {  	v59 =	vld [tilespmem:$0x7000];
	v60 =	vmax.f32 v53, v13;
	[tilespmem:$0x70C0] =	vst v58  }
0x9e: {  	v2 =	vmax.f32 v54, v2;
	[tilespmem:$0x70D0] =	vst v60  }
0x9f: {  	v61 =	vmax.f32 v55, v10;
	[tilespmem:$0x70F0] =	vst v2  }
0xa0: {  	v62 =	vmax.f32 v56, v19;
	[tilespmem:$0x7020] =	vst v61  }
0xa1: {  	v1 =	vmax.f32 v57, v1;
	[tilespmem:$0x7030] =	vst v62  }
0xa2: {  	v0 =	vmax.f32 v59, v0;
	[tilespmem:$0x7010] =	vst v1  }
0xa3: {  	s7 =	simm.s32 $0x0;
	s8 =	simm.s32 $0x7000;
	s30 =	simm.s32 $0x2;
	[tilespmem:$0x7000] =	vst v0  }
0xa4: {  	[hbm4b:s3+s7] =	stream.linear.scatter [tilespmem:s8], [sflag:$0x2], $0x100, $0x38;
	[tilespmem:$0x7310] =	vst v63  }
0xa5: {  	_ =	swait.ge [sflag:s30], $0x100  }
0xa6: {  	[sflag:s30] =	ssyncset.done $0x0  }
0xa7: {  	v63 =	vimm.f32 $0.0e+00;
	[sflag:s30] =	ssyncadd.s32 $0xFFFFFF00  }
0xa8: {  	[tilespmem:$0x7100] =	vst v63  }
0xa9: {  	[tilespmem:$0x7110] =	vst v63  }
0xaa: {  	[tilespmem:$0x7120] =	vst v63  }
0xab: {  	[tilespmem:$0x7130] =	vst v63  }
0xac: {  	[tilespmem:$0x7140] =	vst v63  }
0xad: {  	[tilespmem:$0x7150] =	vst v63  }
0xae: {  	[tilespmem:$0x7160] =	vst v63  }
0xaf: {  	[tilespmem:$0x7170] =	vst v63  }
0xb0: {  	[tilespmem:$0x7180] =	vst v63  }
0xb1: {  	[tilespmem:$0x7190] =	vst v63  }
0xb2: {  	[tilespmem:$0x71A0] =	vst v63  }
0xb3: {  	[tilespmem:$0x71B0] =	vst v63  }
0xb4: {  	[tilespmem:$0x71C0] =	vst v63  }
0xb5: {  	[tilespmem:$0x71D0] =	vst v63  }
0xb6: {  	[tilespmem:$0x71E0] =	vst v63  }
0xb7: {  	s31 =	simm.s32 $0x7100;
	[tilespmem:$0x71F0] =	vst v63  }
0xb8: {  	[spmem:s2] =	stream.linear.scatter [tilespmem:s31], [sflag:$0x2], $0x100, $0x38;
	[tilespmem:$0x7310] =	vst v63  }
0xb9: {  	_ =	swait.ge [sflag:s30], $0x100  }
0xba: {  	[sflag:s30] =	ssyncset.done $0x0  }
0xbb: {  	[sflag:s30] =	ssyncadd.s32 $0xFFFFFF00  }
.LBB2_8:
0xbc: {  	[bflag:$0x0] =	sbarrier.arrive $0xFFFF;
	s7 =	simm.s32 $0x80  }
0xbd: {  	s10 =	simm.s32 $0x1;
	s9 =	simm.s32 $0x5400;
	s8 =	simm.s32 $0x1C00  }
0xbe: {  	[tilespmem:s9], [sflag:$0x1] =	stream.indirect.gather [hbm4b:s3+s7], $0x1, s8, s7, $0xb8;
	[tilespmem:$0x7310] =	vst v63  }
0xbf: {  	_ =	swait.ge [sflag:s10], $0x80  }
0xc0: {  	[sflag:s10] =	ssyncset.done $0x0  }
0xc1: {  	s9 =	simm.s32 $0x0;
	[sflag:s10] =	ssyncadd.s32 $0xFFFFFF80  }
0xc2: {  	v2 =	vld [tilespmem:s9+$0x5450]  }
0xc3: {  	v0 =	vld [tilespmem:s9+$0x5470]  }
0xc4: {  	v1 =	vld [tilespmem:s9+$0x5430]  }
0xc5: {  	v3 =	vld [tilespmem:s9+$0x70]  }
0xc6: {  	v4 =	vld [tilespmem:s9+$0x5440]  }
0xc7: {  	v5 =	vld [tilespmem:s9+$0x30]  }
0xc8: {  	v6 =	vld [tilespmem:s9+$0x5420]  }
0xc9: {  	v8 =	vld [tilespmem:s9+$0x20]  }
0xca: {  	v9 =	vld [tilespmem:s9+$0x50]  }
0xcb: {  	v7 =	vld [tilespmem:s9+$0x40]  }
0xcc: {  	v0 =	vsub.f32 v3, v0  }
0xcd: {  	v10 =	vld [tilespmem:s9+$0x5410]  }
0xce: {  	v1 =	vsub.f32 v5, v1;
	v5 =	vld [tilespmem:s9+$0x10];
	v3 =	vmul.f32 $1.442695020e+00, v0  }
0xcf: {  	v6 =	vsub.f32 v8, v6;
	v8 =	vsub.f32 v9, v2;
	v2 =	vld [tilespmem:s9+$0x5400]  }
0xd0: {  	v4 =	vsub.f32 v7, v4;
	v0 =	vld [tilespmem:s9+$0x5460];
	v7 =	vmul.f32 $1.442695020e+00, v1;
	(erf) = vpow2.f32 v3  }
0xd1: {  	v1 =	vld [tilespmem:s9+$0x60]  }
0xd2: {  	v63 =	vmul.f32 $1.442695020e+00, v4;
	v4 =	vld [tilespmem:s9+$0x0];
	(erf) = vpow2.f32 v7;
	_ =	sdelay $0x1  }
0xd3: {  	v3 =	vmul.f32 $1.442695020e+00, v6;
	v6 =	vmul.f32 $1.442695020e+00, v8  }
0xd4: {  	s5 =	sadd.s32 s6, s5;
	s6 =	simm.s32 $0x200;
	v5 =	vsub.f32 v5, v10;
	(erf) = vpow2.f32 v63  }
.LBB2_9:
0xd5: {  	p1 =	sne.s32 s6, $0x6E00;
	v0 =	vsub.f32 v1, v0;
	(erf) = vpow2.f32 v6;
	s11 =	smov.u32 s6;
	s6 =	sadd.s32 $0x200, s6  }
0xd6: {  	v1 =	vsub.f32 v4, v2;
	v4 =	vmul.f32 $1.442695020e+00, v5  }
0xd7: {  	v5 =	vmul.f32 $1.442695020e+00, v0;
	(erf) = vpow2.f32 v3  }
0xd8: {  	v1 =	vmul.f32 $1.442695020e+00, v1;
	(erf) = vpow2.f32 v4;
	v2 =	vpop (erf)  }
0xd9: {  	[tilespmem:s9+$0x3870] =	vst v2;
	(erf) = vpow2.f32 v5  }
0xda: {  	(erf) = vpow2.f32 v1;
	v0 =	vpop (erf)  }
0xdb: {  	[tilespmem:s9+$0x3830] =	vst v0;
	_ =	sdelay $0x1  }
0xdc: {  	v0 =	vpop (erf)  }
0xdd: {  	[tilespmem:s9+$0x3840] =	vst v0;
	v0 =	vpop (erf)  }
0xde: {  	[tilespmem:s9+$0x3850] =	vst v0  }
0xdf: {  	v0 =	vpop (erf)  }
0xe0: {  	[tilespmem:s9+$0x3820] =	vst v0;
	v0 =	vpop (erf)  }
0xe1: {  	s11 =	sshra.s32 s11, $0x2;
	[tilespmem:s9+$0x3810] =	vst v0;
	v0 =	vpop (erf)  }
0xe2: {  	[tilespmem:s9+$0x3860] =	vst v0;
	v0 =	vpop (erf)  }
0xe3: {  	s12 =	sadd.s32 $0x3800, s9;
	[tilespmem:s9+$0x3800] =	vst v0;
	s9 =	smov.u32 s11  }
0xe4: {  	[spmem:s2] =	stream.indirect.scatter.add.f32 [tilespmem:s12], [sflag:$0x2], $0x1, s8, s7, $0xb8;
	[tilespmem:$0x7310] =	vst v63  }
0xe5: {  	_ =	swait.ge [sflag:s4], $0x80  }
0xe6: {  	s11 =	sadd.s32 $0x5400, s9;
	s8 =	sadd.s32 $0x1C00, s9;
	[sflag:s4] =	ssyncset.done $0x0  }
0xe7: {  	[sflag:s4] =	ssyncadd.s32 $0xFFFFFF80  }
0xe8: {  	[tilespmem:s11], [sflag:$0x1] =	stream.indirect.gather [hbm4b:s3+s7], $0x1, s8, s7, $0xb8;
	[tilespmem:$0x7310] =	vst v63  }
0xe9: {  	_ =	swait.ge [sflag:s10], $0x80  }
0xea: {  	[sflag:s10] =	ssyncset.done $0x0  }
0xeb: {  	[sflag:s10] =	ssyncadd.s32 $0xFFFFFF80  }
0xec: {  	v3 =	vld [tilespmem:s9+$0x5450]  }
0xed: {  	v0 =	vld [tilespmem:s9+$0x5470]  }
0xee: {  	v1 =	vld [tilespmem:s9+$0x5430]  }
0xef: {  	v5 =	vld [tilespmem:s9+$0x50]  }
0xf0: {  	v2 =	vld [tilespmem:s9+$0x70]  }
0xf1: {  	v4 =	vld [tilespmem:s9+$0x5440]  }
0xf2: {  	v6 =	vld [tilespmem:s9+$0x30]  }
0xf3: {  	v7 =	vld [tilespmem:s9+$0x5420]  }
0xf4: {  	v8 =	vld [tilespmem:s9+$0x40]  }
0xf5: {  	v9 =	vld [tilespmem:s9+$0x20];
	v2 =	vsub.f32 v2, v0  }
0xf6: {  	v10 =	vld [tilespmem:s9+$0x5410]  }
0xf7: {  	v1 =	vsub.f32 v6, v1;
	v0 =	vld [tilespmem:s9+$0x5460];
	v2 =	vmul.f32 $1.442695020e+00, v2  }
0xf8: {  	v11 =	vld [tilespmem:s9+$0x10]  }
0xf9: {  	v6 =	vmul.f32 $1.442695020e+00, v1;
	v8 =	vsub.f32 v8, v4;
	v1 =	vld [tilespmem:s9+$0x60];
	(erf) = vpow2.f32 v2  }
.Ltmp4:
0xfa: {  	v2 =	vld [tilespmem:s9+$0x5400];
	v7 =	vsub.f32 v9, v7;
	(pc) =	sbr.rel @p1 .LBB2_9-.Ltmp4, $4  }
0xfb: {  	v5 =	vsub.f32 v5, v3;
	v4 =	vld [tilespmem:s9+$0x0];
	(erf) = vpow2.f32 v6  }
0xfc: {  	v3 =	vmul.f32 $1.442695020e+00, v7;
	v7 =	vmul.f32 $1.442695020e+00, v8  }
0xfd: {  	v6 =	vmul.f32 $1.442695020e+00, v5  }
0xfe: {  	v5 =	vsub.f32 v11, v10;
	(erf) = vpow2.f32 v7  }
0xff: {  	v0 =	vsub.f32 v1, v0  }
0x100: {  	(erf) = vpow2.f32 v6;
	v1 =	vsub.f32 v4, v2;
	v2 =	vmul.f32 $1.442695020e+00, v5  }
0x101: {  	(erf) = vpow2.f32 v3;
	v0 =	vmul.f32 $1.442695020e+00, v0  }
0x102: {  	v1 =	vmul.f32 $1.442695020e+00, v1;
	(erf) = vpow2.f32 v2  }
0x103: {  	(erf) = vpow2.f32 v0  }
0x104: {  	(erf) = vpow2.f32 v1;
	_ =	sdelay $0x1  }
0x105: {  	v0 =	vpop (erf)  }
0x106: {  	[tilespmem:s9+$0x3870] =	vst v0;
	v0 =	vpop (erf)  }
0x107: {  	[tilespmem:s9+$0x3830] =	vst v0;
	v0 =	vpop (erf)  }
0x108: {  	[tilespmem:s9+$0x3840] =	vst v0;
	v0 =	vpop (erf)  }
0x109: {  	[tilespmem:s9+$0x3850] =	vst v0;
	v0 =	vpop (erf)  }
0x10a: {  	[tilespmem:s9+$0x3820] =	vst v0;
	v0 =	vpop (erf)  }
0x10b: {  	[tilespmem:s9+$0x3810] =	vst v0;
	v0 =	vpop (erf)  }
0x10c: {  	[tilespmem:s9+$0x3860] =	vst v0;
	v0 =	vpop (erf)  }
0x10d: {  	s3 =	sadd.s32 $0x3800, s9;
	[tilespmem:s9+$0x3800] =	vst v0  }
0x10e: {  	[spmem:s2] =	stream.indirect.scatter.add.f32 [tilespmem:s3], [sflag:$0x2], $0x1, s8, s7, $0xb8;
	[tilespmem:$0x7310] =	vst v63  }
0x10f: {  	_ =	swait.ge [sflag:s4], $0x80  }
0x110: {  	[sflag:s4] =	ssyncset.done $0x0  }
0x111: {  	[sflag:s4] =	ssyncadd.s32 $0xFFFFFF80  }
0x112: {  	s3 =	simm.s32 @!p0 $0x7100;
	[bflag:$0x0] =	sbarrier.arrive $0xFFFF  }
0x113: {  	[tilespmem:s3], [sflag:$0x2] =	stream.linear.gather @!p0 [spmem:s2], $0x100, $0x38;
	[tilespmem:$0x7310] =	vst v63  }
0x114: {  	s2 =	simm.s32 @!p0 $0x2  }
0x115: {  	_ =	swait.ge @!p0 [sflag:s2], $0x100  }
0x116: {  	[sflag:s2] =	ssyncset.done @!p0 $0x0  }
0x117: {  	s4 =	simm.s32 @!p0 $0x0;
	[sflag:s2] =	ssyncadd.s32 @!p0 $0xFFFFFF00  }
0x118: {  	[hbm4b:s1+s4] =	stream.linear.scatter @!p0 [tilespmem:s3], [sflag:$0x2], $0x100, $0x38;
	[tilespmem:$0x7310] =	vst v63  }
0x119: {  	_ =	swait.ge @!p0 [sflag:s2], $0x100  }
0x11a: {  	[sflag:s2] =	ssyncset.done @!p0 $0x0  }
0x11b: {  	s31 =	simm.s32 $0x5400;
	s6 =	simm.s32 $0x1C00;
	[sflag:s2] =	ssyncadd.s32 @!p0 $0xFFFFFF00  }
0x11c: {  	s3 =	simm.s32 $0x80;
	s4 =	simm.s32 $0x1;
	[bflag:$0x0] =	sbarrier.arrive $0xFFFF  }
0x11d: {  	[tilespmem:s31], [sflag:$0x1] =	stream.indirect.gather [hbm4b:s1+s3], $0x1, s6, s3, $0xb8;
	[tilespmem:$0x7310] =	vst v63  }
0x11e: {  	_ =	swait.ge [sflag:s4], $0x80  }
0x11f: {  	[sflag:s4] =	ssyncset.done $0x0  }
0x120: {  	s2 =	simm.s32 $0x0;
	[sflag:s4] =	ssyncadd.s32 $0xFFFFFF80  }
0x121: {  	v0 =	vld [tilespmem:s2+$0x5470]  }
0x122: {  	v1 =	vld [tilespmem:s2+$0x5450]  }
0x123: {  	v2 =	vld [tilespmem:s2+$0x5460]  }
0x124: {  	v3 =	vld [tilespmem:s2+$0x5440]  }
0x125: {  	v4 =	vld [tilespmem:s2+$0x5400]  }
0x126: {  	v5 =	vld [tilespmem:s2+$0x5430];
	v0 =	vadd.f32 $1.000000020e-16, v0  }
0x127: {  	v6 =	vld [tilespmem:s2+$0x5410];
	v1 =	vadd.f32 $1.000000020e-16, v1  }
0x128: {  	v7 =	vld [tilespmem:s2+$0x5420];
	v8 =	vadd.f32 $1.000000020e-16, v2;
	(erf) = vrcp.f32 v0  }
0x129: {  	v2 =	vld [tilespmem:s2+$0x3870];
	v0 =	vadd.f32 $1.000000020e-16, v3;
	(erf) = vrcp.f32 v1  }
0x12a: {  	v3 =	vld [tilespmem:s2+$0x3800];
	v1 =	vadd.f32 $1.000000020e-16, v4;
	(erf) = vrcp.f32 v8  }
0x12b: {  	v4 =	vld [tilespmem:s2+$0x3850];
	v8 =	vadd.f32 $1.000000020e-16, v5;
	(erf) = vrcp.f32 v0  }
0x12c: {  	v5 =	vld [tilespmem:s2+$0x3860];
	v0 =	vadd.f32 $1.000000020e-16, v6;
	(erf) = vrcp.f32 v1  }
0x12d: {  	v7 =	vadd.f32 $1.000000020e-16, v7;
	v6 =	vld [tilespmem:s2+$0x3840];
	(erf) = vrcp.f32 v8  }
0x12e: {  	v1 =	vld [tilespmem:s2+$0x3830];
	(erf) = vrcp.f32 v0  }
0x12f: {  	s6 =	simm.s32 $0x200;
	v0 =	vld [tilespmem:s2+$0x3810];
	(erf) = vrcp.f32 v7  }
.LBB2_11:
0x130: {  	p1 =	sne.s32 s6, $0x6E00;
	v7 =	vld [tilespmem:s2+$0x3820];
	s7 =	smov.u32 s6;
	s6 =	sadd.s32 $0x200, s6  }
0x131: {  	v8 =	vpop (erf)  }
0x132: {  	v9 =	vmul.f32 v8, v2;
	v8 =	vpop (erf)  }
0x133: {  	v10 =	vmul.f32 v8, v4;
	v8 =	vpop (erf)  }
0x134: {  	v5 =	vmul.f32 v8, v5;
	[tilespmem:s2+$0x3870] =	vst v9;
	v2 =	vpop (erf)  }
0x135: {  	v6 =	vmul.f32 v2, v6;
	[tilespmem:s2+$0x3850] =	vst v10;
	v4 =	vpop (erf)  }
0x136: {  	s7 =	sshra.s32 s7, $0x2;
	v3 =	vmul.f32 v4, v3;
	[tilespmem:s2+$0x3860] =	vst v5;
	v4 =	vpop (erf)  }
0x137: {  	s8 =	sadd.s32 $0x5400, s7;
	s9 =	sadd.s32 $0x1C00, s7;
	v1 =	vmul.f32 v4, v1;
	[tilespmem:s2+$0x3840] =	vst v6;
	v2 =	vpop (erf)  }
0x138: {  	[tilespmem:s2+$0x3800] =	vst v3;
	v0 =	vmul.f32 v2, v0;
	v2 =	vpop (erf)  }
0x139: {  	v2 =	vmul.f32 v2, v7;
	[tilespmem:s2+$0x3830] =	vst v1  }
0x13a: {  	[tilespmem:s2+$0x3810] =	vst v0  }
0x13b: {  	[tilespmem:s2+$0x3820] =	vst v2;
	s2 =	smov.u32 s7  }
0x13c: {  	[tilespmem:s8], [sflag:$0x1] =	stream.indirect.gather [hbm4b:s1+s3], $0x1, s9, s3, $0xb8;
	[tilespmem:$0x7310] =	vst v63  }
0x13d: {  	_ =	swait.ge [sflag:s4], $0x80  }
0x13e: {  	[sflag:s4] =	ssyncset.done $0x0  }
0x13f: {  	[sflag:s4] =	ssyncadd.s32 $0xFFFFFF80  }
0x140: {  	v0 =	vld [tilespmem:s2+$0x5470]  }
0x141: {  	v1 =	vld [tilespmem:s2+$0x5450]  }
0x142: {  	v2 =	vld [tilespmem:s2+$0x5460]  }
0x143: {  	v3 =	vld [tilespmem:s2+$0x5440]  }
0x144: {  	v4 =	vld [tilespmem:s2+$0x5400]  }
0x145: {  	v5 =	vld [tilespmem:s2+$0x5430];
	v0 =	vadd.f32 $1.000000020e-16, v0  }
0x146: {  	v6 =	vld [tilespmem:s2+$0x5410];
	v1 =	vadd.f32 $1.000000020e-16, v1  }
0x147: {  	v7 =	vld [tilespmem:s2+$0x5420];
	v8 =	vadd.f32 $1.000000020e-16, v2;
	(erf) = vrcp.f32 v0  }
0x148: {  	v0 =	vadd.f32 $1.000000020e-16, v3;
	v2 =	vld [tilespmem:s2+$0x3870];
	(erf) = vrcp.f32 v1  }
0x149: {  	v1 =	vadd.f32 $1.000000020e-16, v4;
	v4 =	vld [tilespmem:s2+$0x3850];
	(erf) = vrcp.f32 v8  }
.Ltmp5:
0x14a: {  	v8 =	vadd.f32 $1.000000020e-16, v5;
	v5 =	vld [tilespmem:s2+$0x3860];
	(erf) = vrcp.f32 v0;
	(pc) =	sbr.rel @p1 .LBB2_11-.Ltmp5, $4  }
0x14b: {  	v0 =	vadd.f32 $1.000000020e-16, v6;
	v6 =	vld [tilespmem:s2+$0x3840];
	(erf) = vrcp.f32 v1  }
0x14c: {  	v3 =	vld [tilespmem:s2+$0x3800];
	v7 =	vadd.f32 $1.000000020e-16, v7;
	(erf) = vrcp.f32 v8  }
0x14d: {  	v1 =	vld [tilespmem:s2+$0x3830];
	(erf) = vrcp.f32 v0  }
0x14e: {  	v0 =	vld [tilespmem:s2+$0x3810];
	(erf) = vrcp.f32 v7  }
0x14f: {  	_ = 	snop  }
0x150: {  	v7 =	vpop (erf)  }
0x151: {  	v2 =	vmul.f32 v7, v2;
	v57 =	vpop (erf)  }
0x152: {  	v4 =	vmul.f32 v57, v4;
	v58 =	vpop (erf)  }
0x153: {  	v8 =	vld [tilespmem:s2+$0x3820];
	v5 =	vmul.f32 v58, v5;
	[tilespmem:s2+$0x3870] =	vst v2;
	v59 =	vpop (erf)  }
0x154: {  	v2 =	vmul.f32 v59, v6;
	[tilespmem:s2+$0x3850] =	vst v4;
	v60 =	vpop (erf)  }
0x155: {  	v3 =	vmul.f32 v60, v3;
	[tilespmem:s2+$0x3860] =	vst v5;
	v61 =	vpop (erf)  }
0x156: {  	v1 =	vmul.f32 v61, v1;
	[tilespmem:s2+$0x3840] =	vst v2;
	v62 =	vpop (erf)  }
0x157: {  	[tilespmem:s2+$0x3800] =	vst v3;
	v0 =	vmul.f32 v62, v0;
	v63 =	vpop (erf)  }
0x158: {  	v2 =	vmul.f32 v63, v8;
	[tilespmem:s2+$0x3830] =	vst v1  }
0x159: {  	[tilespmem:s2+$0x3810] =	vst v0  }
0x15a: {  	s1 =	simm.s32 $0x0;
	s30 =	simm.s32 $0x3800;
	s31 =	simm.s32 $0x2;
	[tilespmem:s2+$0x3820] =	vst v2  }
0x15b: {  	[hbm4b:s5+s1] =	stream.linear.scatter [tilespmem:s30], [sflag:$0x2], $0x1C00, $0x38;
	[tilespmem:$0x7310] =	vst v63  }
0x15c: {  	_ =	swait.ge [sflag:s31], $0x1C00  }
0x15d: {  	[sflag:s31] =	ssyncset.done $0x0  }
0x15e: {  	[sflag:s31] =	ssyncadd.s32 $0xFFFFE400  }
0x15f: {  	_ =	sfence.sel $0x180000  }
0x160: {  	[bflag:$0x0] =	sbarrier.arrive $0xFFFF  }
0x161: {  	_ =	strace $0x90000047  }
0x162: {  	s0 =	sadd.s32 @!p0 $0x100000, s0;
	[bflag:$0x2] =	sbarrier.arrive $0xFFFF  }
0x163: {  	[sflag:s0] =	ssyncadd.tile.s32 @!p0 $0x1;
	_ =	shalt  }
.Lfunc_end2:
_tile_overlayer_lowered:
.L_overlay_start_2:
0x164: {  	(tag) =	ssettag $0x2  }
0x165: {  	s0 =	rddreg [dreg:$0x0];
	s2 =	stileid.u32  }
0x166: {  	s1 =	rddreg [dreg:$0x1];
	p0 =	sne.s32 s2, $0x0  }
0x167: {  	s3 =	rddreg [dreg:$0x2];
	[bflag:$0x3] =	sbarrier.arrive $0xFFFF;
	s2 =	simm.s32 @!p0 $0x1C02  }
0x168: {  	[timem:s3], [sflag:s2] =	dma.local @!p0 [hbm:s0], s1  }
0x169: {  	s0 =	simm.s32 @!p0 $0x2  }
0x16a: {  	_ =	swait.ge @!p0 [sflag:s0], s1  }
0x16b: {  	s1 =	ssub.s32 @!p0 $0x0, s1;
	[sflag:s0] =	ssyncset.done @!p0 $0x0  }
0x16c: {  	[sflag:s0] =	ssyncadd.s32 @!p0 s1  }
0x16d: {  	[bflag:$0x3] =	sbarrier.arrive $0xFFFF  }
0x16e: {  	_ =	shalt  }

</sc_bundles>
